<compile_context>
chip_gen: v7x
topology: tpu7x:2x2x1
jax: 0.10.2.dev20260603
libtpu: 0.0.44.dev20260713+nightly
codegen_flags: <defaults>
</compile_context>

<pallas_src>
import functools

import jax
import jax.numpy as jnp
from jax.experimental import pallas as pl
from jax.experimental.pallas import tpu as pltpu

L, C, H, W = 5, 256, 100, 152
A = 3
HP, WP = H + 2, W + 2
S_OUT = (H - 1) * WP + WP
CS = 1408
NC = -(-S_OUT // CS)
S_PAD = NC * CS + 512
NHEAD = 16


def _rpn_kernel(x_ref, w9_ref, cb_ref, wh_ref, hb_ref, out_ref):
    cb = cb_ref[...]
    hb = hb_ref[...]
    wh = wh_ref[...]
    for c in range(NC):
        base = c * CS
        acc = jnp.zeros((C, CS), jnp.float32)
        for dh in range(3):
            for dw in range(3):
                off = dh * WP + dw
                xs = x_ref[0, :, base + off:base + off + CS]
                acc += jnp.dot(w9_ref[dh * 3 + dw], xs,
                               preferred_element_type=jnp.float32)
        t = jnp.maximum(acc + cb, 0.0).astype(jnp.bfloat16)
        out_ref[0, :, base:base + CS] = (
            jnp.dot(wh, t, preferred_element_type=jnp.float32) + hb)


@jax.jit
def kernel(x, conv_w, conv_b, cls_w, cls_b, bbox_w, bbox_b):
    xp = jnp.pad(x, ((0, 0), (0, 0), (1, 1), (1, 1)))
    xp = xp.reshape(L, C, HP * WP)
    xp = jnp.pad(xp, ((0, 0), (0, 0), (0, S_PAD - HP * WP)))
    xp = xp.astype(jnp.bfloat16)

    w9 = jnp.transpose(conv_w, (2, 3, 0, 1)).reshape(9, C, C)
    w9 = w9.astype(jnp.bfloat16)
    wh = jnp.concatenate([cls_w[:, :, 0, 0], bbox_w[:, :, 0, 0],
                          jnp.zeros((NHEAD - A - 4 * A, C))], axis=0)
    wh = wh.astype(jnp.bfloat16)
    hb = jnp.concatenate([cls_b, bbox_b,
                          jnp.zeros((NHEAD - A - 4 * A,))])[:, None]
    cb = conv_b[:, None]

    out = pl.pallas_call(
        _rpn_kernel,
        grid=(L,),
        in_specs=[
            pl.BlockSpec((1, C, S_PAD), lambda l: (l, 0, 0)),
            pl.BlockSpec((9, C, C), lambda l: (0, 0, 0)),
            pl.BlockSpec((C, 1), lambda l: (0, 0)),
            pl.BlockSpec((NHEAD, C), lambda l: (0, 0)),
            pl.BlockSpec((NHEAD, 1), lambda l: (0, 0)),
        ],
        out_specs=pl.BlockSpec((1, NHEAD, NC * CS), lambda l: (l, 0, 0)),
        out_shape=jax.ShapeDtypeStruct((L, NHEAD, NC * CS), jnp.float32),
    )(xp, w9, cb, wh, hb)

    r = out[:, :, :H * WP].reshape(L, NHEAD, H, WP)[:, :, :, :W]
    return (r[:, :A], r[:, A:A + 4 * A])

# --- scband reference (transcript-rebuilt; emitter-appended) ---
"""Pipeline reference for scband-rpn-fpn-19086834663985 (READ-ONLY COPY).

The authoritative reference and input builder live on the scoring server;
editing this copy changes nothing except your own understanding.
"""

import jax, jax.numpy as jnp
import numpy as np


def conv2d(x, w, b, pad):
    y = jax.lax.conv_general_dilated(
        x, w, window_strides=(1, 1), padding=((pad, pad), (pad, pad)),
        dimension_numbers=('NCHW', 'OIHW', 'NCHW'))
    return y + b[None, :, None, None]


def setup_inputs(seed: int = 0) -> dict:
    key = jax.random.key(seed)
    ks = jax.random.split(key, 4)
    L, C, H, W = 5, 256, 100, 152
    A = 3  # num_anchors
    x = jax.random.normal(ks[0], (L, C, H, W), dtype=jnp.float32)
    # parameters initialized as in the torch module: normal(std=0.01) weights, zero bias
    conv_w = jax.random.normal(ks[1], (C, C, 3, 3), dtype=jnp.float32) * 0.01
    conv_b = jnp.zeros((C,), dtype=jnp.float32)
    cls_w = jax.random.normal(ks[2], (A, C, 1, 1), dtype=jnp.float32) * 0.01
    cls_b = jnp.zeros((A,), dtype=jnp.float32)
    bbox_w = jax.random.normal(ks[3], (A * 4, C, 1, 1), dtype=jnp.float32) * 0.01
    bbox_b = jnp.zeros((A * 4,), dtype=jnp.float32)
    return {"x": x, "conv_w": conv_w, "conv_b": conv_b,
            "cls_w": cls_w, "cls_b": cls_b,
            "bbox_w": bbox_w, "bbox_b": bbox_b}


def reference(x, conv_w, conv_b, cls_w, cls_b, bbox_w, bbox_b):
    # RPN_FPN.forward: for each level l in x:
    #   t = relu(conv(l)); logits = cls_logits(t); bbox = bbox_pred(t)
    # All levels share the shared head, so apply batched over the level dim.
    t = jax.nn.relu(conv2d(x, conv_w, conv_b, 1))
    rpn_scores = conv2d(t, cls_w, cls_b, 0)      # [L, A, H, W]
    bbox_regs = conv2d(t, bbox_w, bbox_b, 0)     # [L, A*4, H, W]
    return (rpn_scores, bbox_regs)

if __name__ == "__main__":
    import jax
    _d = setup_inputs()
    print(jax.jit(kernel)(*tuple(_d.values())))

</pallas_src>

<mosaic_0001>
module attributes {stable_mosaic.version = 14 : i64} {
  func.func @_rpn_kernel(%arg0: i32, %arg1: memref<1x256x16000xbf16, #tpu.memory_space<vmem>>, %arg2: memref<9x256x256xbf16, #tpu.memory_space<vmem>>, %arg3: memref<256x1xf32, #tpu.memory_space<vmem>>, %arg4: memref<16x256xbf16, #tpu.memory_space<vmem>>, %arg5: memref<16x1xf32, #tpu.memory_space<vmem>>, %arg6: memref<1x16x15488xf32, #tpu.memory_space<vmem>>) attributes {dimension_semantics = [#tpu.dimension_semantics<arbitrary>], iteration_bounds = array<i64: 5>, scalar_prefetch = 0 : i64, scratch_operands = 0 : i64, tpu.core_type = #tpu.core_type<tc>, window_params = [{transform_indices = @transform_0, window_bounds = array<i64: 1, 256, 16000>}, {pipeline_mode = #tpu.pipeline_mode<synchronous>, transform_indices = @transform_1, window_bounds = array<i64: 9, 256, 256>}, {pipeline_mode = #tpu.pipeline_mode<synchronous>, transform_indices = @transform_2, window_bounds = array<i64: 256, 1>}, {pipeline_mode = #tpu.pipeline_mode<synchronous>, transform_indices = @transform_3, window_bounds = array<i64: 16, 256>}, {pipeline_mode = #tpu.pipeline_mode<synchronous>, transform_indices = @transform_4, window_bounds = array<i64: 16, 1>}, {transform_indices = @transform_5, window_bounds = array<i64: 1, 16, 15488>}]} {
    %get3A = arith.constant 0 : index
    %get3A_0 = arith.constant 0 : index
    %get3A_1 = vector.load %arg3[%get3A, %get3A_0] : memref<256x1xf32, #tpu.memory_space<vmem>>, vector<256x1xf32>
    %get3A_2 = arith.constant 0 : index
    %get3A_3 = arith.constant 0 : index
    %get3A_4 = vector.load %arg5[%get3A_2, %get3A_3] : memref<16x1xf32, #tpu.memory_space<vmem>>, vector<16x1xf32>
    %get3A_5 = arith.constant 0 : index
    %get3A_6 = arith.constant 0 : index
    %get3A_7 = vector.load %arg4[%get3A_5, %get3A_6] : memref<16x256xbf16, #tpu.memory_space<vmem>>, vector<16x256xbf16>
    %broadcast_in_dim3A = arith.constant 0.000000e+00 : f32
    %broadcast_in_dim3A_8 = vector.broadcast %broadcast_in_dim3A : f32 to vector<256x1408xf32>
    %get3A_9 = arith.constant 0 : index
    %get3A_10 = arith.constant 0 : index
    %get3A_11 = arith.constant 0 : index
    %get3A_12 = vector.load %arg1[%get3A_9, %get3A_10, %get3A_11] : memref<1x256x16000xbf16, #tpu.memory_space<vmem>>, vector<1x256x1408xbf16>
    %get3A_13 = vector.shape_cast %get3A_12 : vector<1x256x1408xbf16> to vector<256x1408xbf16>
    %get3A_14 = arith.constant 0 : index
    %get3A_15 = arith.constant 0 : index
    %get3A_16 = arith.constant 0 : index
    %get3A_17 = vector.load %arg2[%get3A_14, %get3A_15, %get3A_16] : memref<9x256x256xbf16, #tpu.memory_space<vmem>>, vector<1x256x256xbf16>
    %get3A_18 = vector.shape_cast %get3A_17 : vector<1x256x256xbf16> to vector<256x256xbf16>
    %dot_general3A = arith.constant dense<0.000000e+00> : vector<256x1408xf32>
    %dot_general3A_19 = tpu.matmul %get3A_18, %get3A_13, %dot_general3A {dimension_numbers = #tpu.dot_dimension_numbers<[1], [0], [0], [1], [0, 0, 1, 1], [], []>, transpose_lhs_hint = false} : vector<256x256xbf16>, vector<256x1408xbf16>, vector<256x1408xf32> -> vector<256x1408xf32>
    %add3A = arith.addf %broadcast_in_dim3A_8, %dot_general3A_19 : vector<256x1408xf32>
    %get3A_20 = arith.constant 0 : index
    %get3A_21 = arith.constant 0 : index
    %get3A_22 = arith.constant 1 : index
    %get3A_23 = vector.load %arg1[%get3A_20, %get3A_21, %get3A_22] : memref<1x256x16000xbf16, #tpu.memory_space<vmem>>, vector<1x256x1408xbf16>
    %get3A_24 = vector.shape_cast %get3A_23 : vector<1x256x1408xbf16> to vector<256x1408xbf16>
    %get3A_25 = arith.constant 1 : index
    %get3A_26 = arith.constant 0 : index
    %get3A_27 = arith.constant 0 : index
    %get3A_28 = vector.load %arg2[%get3A_25, %get3A_26, %get3A_27] : memref<9x256x256xbf16, #tpu.memory_space<vmem>>, vector<1x256x256xbf16>
    %get3A_29 = vector.shape_cast %get3A_28 : vector<1x256x256xbf16> to vector<256x256xbf16>
    %dot_general3A_30 = arith.constant dense<0.000000e+00> : vector<256x1408xf32>
    %dot_general3A_31 = tpu.matmul %get3A_29, %get3A_24, %dot_general3A_30 {dimension_numbers = #tpu.dot_dimension_numbers<[1], [0], [0], [1], [0, 0, 1, 1], [], []>, transpose_lhs_hint = false} : vector<256x256xbf16>, vector<256x1408xbf16>, vector<256x1408xf32> -> vector<256x1408xf32>
    %add3A_32 = arith.addf %add3A, %dot_general3A_31 : vector<256x1408xf32>
    %get3A_33 = arith.constant 0 : index
    %get3A_34 = arith.constant 0 : index
    %get3A_35 = arith.constant 2 : index
    %get3A_36 = vector.load %arg1[%get3A_33, %get3A_34, %get3A_35] : memref<1x256x16000xbf16, #tpu.memory_space<vmem>>, vector<1x256x1408xbf16>
    %get3A_37 = vector.shape_cast %get3A_36 : vector<1x256x1408xbf16> to vector<256x1408xbf16>
    %get3A_38 = arith.constant 2 : index
    %get3A_39 = arith.constant 0 : index
    %get3A_40 = arith.constant 0 : index
    %get3A_41 = vector.load %arg2[%get3A_38, %get3A_39, %get3A_40] : memref<9x256x256xbf16, #tpu.memory_space<vmem>>, vector<1x256x256xbf16>
    %get3A_42 = vector.shape_cast %get3A_41 : vector<1x256x256xbf16> to vector<256x256xbf16>
    %dot_general3A_43 = arith.constant dense<0.000000e+00> : vector<256x1408xf32>
    %dot_general3A_44 = tpu.matmul %get3A_42, %get3A_37, %dot_general3A_43 {dimension_numbers = #tpu.dot_dimension_numbers<[1], [0], [0], [1], [0, 0, 1, 1], [], []>, transpose_lhs_hint = false} : vector<256x256xbf16>, vector<256x1408xbf16>, vector<256x1408xf32> -> vector<256x1408xf32>
    %add3A_45 = arith.addf %add3A_32, %dot_general3A_44 : vector<256x1408xf32>
    %get3A_46 = arith.constant 0 : index
    %get3A_47 = arith.constant 0 : index
    %get3A_48 = arith.constant 154 : index
    %get3A_49 = vector.load %arg1[%get3A_46, %get3A_47, %get3A_48] : memref<1x256x16000xbf16, #tpu.memory_space<vmem>>, vector<1x256x1408xbf16>
    %get3A_50 = vector.shape_cast %get3A_49 : vector<1x256x1408xbf16> to vector<256x1408xbf16>
    %get3A_51 = arith.constant 3 : index
    %get3A_52 = arith.constant 0 : index
    %get3A_53 = arith.constant 0 : index
    %get3A_54 = vector.load %arg2[%get3A_51, %get3A_52, %get3A_53] : memref<9x256x256xbf16, #tpu.memory_space<vmem>>, vector<1x256x256xbf16>
    %get3A_55 = vector.shape_cast %get3A_54 : vector<1x256x256xbf16> to vector<256x256xbf16>
    %dot_general3A_56 = arith.constant dense<0.000000e+00> : vector<256x1408xf32>
    %dot_general3A_57 = tpu.matmul %get3A_55, %get3A_50, %dot_general3A_56 {dimension_numbers = #tpu.dot_dimension_numbers<[1], [0], [0], [1], [0, 0, 1, 1], [], []>, transpose_lhs_hint = false} : vector<256x256xbf16>, vector<256x1408xbf16>, vector<256x1408xf32> -> vector<256x1408xf32>
    %add3A_58 = arith.addf %add3A_45, %dot_general3A_57 : vector<256x1408xf32>
    %get3A_59 = arith.constant 0 : index
    %get3A_60 = arith.constant 0 : index
    %get3A_61 = arith.constant 155 : index
    %get3A_62 = vector.load %arg1[%get3A_59, %get3A_60, %get3A_61] : memref<1x256x16000xbf16, #tpu.memory_space<vmem>>, vector<1x256x1408xbf16>
    %get3A_63 = vector.shape_cast %get3A_62 : vector<1x256x1408xbf16> to vector<256x1408xbf16>
    %get3A_64 = arith.constant 4 : index
    %get3A_65 = arith.constant 0 : index
    %get3A_66 = arith.constant 0 : index
    %get3A_67 = vector.load %arg2[%get3A_64, %get3A_65, %get3A_66] : memref<9x256x256xbf16, #tpu.memory_space<vmem>>, vector<1x256x256xbf16>
    %get3A_68 = vector.shape_cast %get3A_67 : vector<1x256x256xbf16> to vector<256x256xbf16>
    %dot_general3A_69 = arith.constant dense<0.000000e+00> : vector<256x1408xf32>
    %dot_general3A_70 = tpu.matmul %get3A_68, %get3A_63, %dot_general3A_69 {dimension_numbers = #tpu.dot_dimension_numbers<[1], [0], [0], [1], [0, 0, 1, 1], [], []>, transpose_lhs_hint = false} : vector<256x256xbf16>, vector<256x1408xbf16>, vector<256x1408xf32> -> vector<256x1408xf32>
    %add3A_71 = arith.addf %add3A_58, %dot_general3A_70 : vector<256x1408xf32>
    %get3A_72 = arith.constant 0 : index
    %get3A_73 = arith.constant 0 : index
    %get3A_74 = arith.constant 156 : index
    %get3A_75 = vector.load %arg1[%get3A_72, %get3A_73, %get3A_74] : memref<1x256x16000xbf16, #tpu.memory_space<vmem>>, vector<1x256x1408xbf16>
    %get3A_76 = vector.shape_cast %get3A_75 : vector<1x256x1408xbf16> to vector<256x1408xbf16>
    %get3A_77 = arith.constant 5 : index
    %get3A_78 = arith.constant 0 : index
    %get3A_79 = arith.constant 0 : index
    %get3A_80 = vector.load %arg2[%get3A_77, %get3A_78, %get3A_79] : memref<9x256x256xbf16, #tpu.memory_space<vmem>>, vector<1x256x256xbf16>
    %get3A_81 = vector.shape_cast %get3A_80 : vector<1x256x256xbf16> to vector<256x256xbf16>
    %dot_general3A_82 = arith.constant dense<0.000000e+00> : vector<256x1408xf32>
    %dot_general3A_83 = tpu.matmul %get3A_81, %get3A_76, %dot_general3A_82 {dimension_numbers = #tpu.dot_dimension_numbers<[1], [0], [0], [1], [0, 0, 1, 1], [], []>, transpose_lhs_hint = false} : vector<256x256xbf16>, vector<256x1408xbf16>, vector<256x1408xf32> -> vector<256x1408xf32>
    %add3A_84 = arith.addf %add3A_71, %dot_general3A_83 : vector<256x1408xf32>
    %get3A_85 = arith.constant 0 : index
    %get3A_86 = arith.constant 0 : index
    %get3A_87 = arith.constant 308 : index
    %get3A_88 = vector.load %arg1[%get3A_85, %get3A_86, %get3A_87] : memref<1x256x16000xbf16, #tpu.memory_space<vmem>>, vector<1x256x1408xbf16>
    %get3A_89 = vector.shape_cast %get3A_88 : vector<1x256x1408xbf16> to vector<256x1408xbf16>
    %get3A_90 = arith.constant 6 : index
    %get3A_91 = arith.constant 0 : index
    %get3A_92 = arith.constant 0 : index
    %get3A_93 = vector.load %arg2[%get3A_90, %get3A_91, %get3A_92] : memref<9x256x256xbf16, #tpu.memory_space<vmem>>, vector<1x256x256xbf16>
    %get3A_94 = vector.shape_cast %get3A_93 : vector<1x256x256xbf16> to vector<256x256xbf16>
    %dot_general3A_95 = arith.constant dense<0.000000e+00> : vector<256x1408xf32>
    %dot_general3A_96 = tpu.matmul %get3A_94, %get3A_89, %dot_general3A_95 {dimension_numbers = #tpu.dot_dimension_numbers<[1], [0], [0], [1], [0, 0, 1, 1], [], []>, transpose_lhs_hint = false} : vector<256x256xbf16>, vector<256x1408xbf16>, vector<256x1408xf32> -> vector<256x1408xf32>
    %add3A_97 = arith.addf %add3A_84, %dot_general3A_96 : vector<256x1408xf32>
    %get3A_98 = arith.constant 0 : index
    %get3A_99 = arith.constant 0 : index
    %get3A_100 = arith.constant 309 : index
    %get3A_101 = vector.load %arg1[%get3A_98, %get3A_99, %get3A_100] : memref<1x256x16000xbf16, #tpu.memory_space<vmem>>, vector<1x256x1408xbf16>
    %get3A_102 = vector.shape_cast %get3A_101 : vector<1x256x1408xbf16> to vector<256x1408xbf16>
    %get3A_103 = arith.constant 7 : index
    %get3A_104 = arith.constant 0 : index
    %get3A_105 = arith.constant 0 : index
    %get3A_106 = vector.load %arg2[%get3A_103, %get3A_104, %get3A_105] : memref<9x256x256xbf16, #tpu.memory_space<vmem>>, vector<1x256x256xbf16>
    %get3A_107 = vector.shape_cast %get3A_106 : vector<1x256x256xbf16> to vector<256x256xbf16>
    %dot_general3A_108 = arith.constant dense<0.000000e+00> : vector<256x1408xf32>
    %dot_general3A_109 = tpu.matmul %get3A_107, %get3A_102, %dot_general3A_108 {dimension_numbers = #tpu.dot_dimension_numbers<[1], [0], [0], [1], [0, 0, 1, 1], [], []>, transpose_lhs_hint = false} : vector<256x256xbf16>, vector<256x1408xbf16>, vector<256x1408xf32> -> vector<256x1408xf32>
    %add3A_110 = arith.addf %add3A_97, %dot_general3A_109 : vector<256x1408xf32>
    %get3A_111 = arith.constant 0 : index
    %get3A_112 = arith.constant 0 : index
    %get3A_113 = arith.constant 310 : index
    %get3A_114 = vector.load %arg1[%get3A_111, %get3A_112, %get3A_113] : memref<1x256x16000xbf16, #tpu.memory_space<vmem>>, vector<1x256x1408xbf16>
    %get3A_115 = vector.shape_cast %get3A_114 : vector<1x256x1408xbf16> to vector<256x1408xbf16>
    %get3A_116 = arith.constant 8 : index
    %get3A_117 = arith.constant 0 : index
    %get3A_118 = arith.constant 0 : index
    %get3A_119 = vector.load %arg2[%get3A_116, %get3A_117, %get3A_118] : memref<9x256x256xbf16, #tpu.memory_space<vmem>>, vector<1x256x256xbf16>
    %get3A_120 = vector.shape_cast %get3A_119 : vector<1x256x256xbf16> to vector<256x256xbf16>
    %dot_general3A_121 = arith.constant dense<0.000000e+00> : vector<256x1408xf32>
    %dot_general3A_122 = tpu.matmul %get3A_120, %get3A_115, %dot_general3A_121 {dimension_numbers = #tpu.dot_dimension_numbers<[1], [0], [0], [1], [0, 0, 1, 1], [], []>, transpose_lhs_hint = false} : vector<256x256xbf16>, vector<256x1408xbf16>, vector<256x1408xf32> -> vector<256x1408xf32>
    %add3A_123 = arith.addf %add3A_110, %dot_general3A_122 : vector<256x1408xf32>
    %add3A_124 = vector.broadcast %get3A_1 : vector<256x1xf32> to vector<256x1408xf32>
    %add3A_125 = arith.addf %add3A_123, %add3A_124 : vector<256x1408xf32>
    %max3A = arith.constant 0.000000e+00 : f32
    %max3A_126 = vector.broadcast %max3A : f32 to vector<256x1408xf32>
    %max3A_127 = arith.maximumf %add3A_125, %max3A_126 : vector<256x1408xf32>
    %convert_element_type3A = arith.truncf %max3A_127 : vector<256x1408xf32> to vector<256x1408xbf16>
    %dot_general3A_128 = arith.constant dense<0.000000e+00> : vector<16x1408xf32>
    %dot_general3A_129 = tpu.matmul %get3A_7, %convert_element_type3A, %dot_general3A_128 {dimension_numbers = #tpu.dot_dimension_numbers<[1], [0], [0], [1], [0, 0, 1, 1], [], []>, transpose_lhs_hint = false} : vector<16x256xbf16>, vector<256x1408xbf16>, vector<16x1408xf32> -> vector<16x1408xf32>
    %add3A_130 = vector.broadcast %get3A_4 : vector<16x1xf32> to vector<16x1408xf32>
    %add3A_131 = arith.addf %dot_general3A_129, %add3A_130 : vector<16x1408xf32>
    %swap3A = arith.constant 0 : index
    %swap3A_132 = arith.constant 0 : index
    %swap3A_133 = arith.constant 0 : index
    %swap3A_134 = vector.load %arg6[%swap3A, %swap3A_132, %swap3A_133] : memref<1x16x15488xf32, #tpu.memory_space<vmem>>, vector<1x16x1408xf32>
    %swap3A_135 = vector.shape_cast %swap3A_134 : vector<1x16x1408xf32> to vector<16x1408xf32>
    %swap3A_136 = vector.shape_cast %add3A_131 : vector<16x1408xf32> to vector<1x16x1408xf32>
    tpu.vector_store %arg6[%swap3A, %swap3A_132, %swap3A_133], %swap3A_136 {strides = array<i32>} : memref<1x16x15488xf32, #tpu.memory_space<vmem>>, vector<1x16x1408xf32>,
    %broadcast_in_dim3A_137 = arith.constant 0.000000e+00 : f32
    %broadcast_in_dim3A_138 = vector.broadcast %broadcast_in_dim3A_137 : f32 to vector<256x1408xf32>
    %get3A_139 = arith.constant 0 : index
    %get3A_140 = arith.constant 0 : index
    %get3A_141 = arith.constant 1408 : index
    %get3A_142 = vector.load %arg1[%get3A_139, %get3A_140, %get3A_141] : memref<1x256x16000xbf16, #tpu.memory_space<vmem>>, vector<1x256x1408xbf16>
    %get3A_143 = vector.shape_cast %get3A_142 : vector<1x256x1408xbf16> to vector<256x1408xbf16>
    %get3A_144 = arith.constant 0 : index
    %get3A_145 = arith.constant 0 : index
    %get3A_146 = arith.constant 0 : index
    %get3A_147 = vector.load %arg2[%get3A_144, %get3A_145, %get3A_146] : memref<9x256x256xbf16, #tpu.memory_space<vmem>>, vector<1x256x256xbf16>
    %get3A_148 = vector.shape_cast %get3A_147 : vector<1x256x256xbf16> to vector<256x256xbf16>
    %dot_general3A_149 = arith.constant dense<0.000000e+00> : vector<256x1408xf32>
    %dot_general3A_150 = tpu.matmul %get3A_148, %get3A_143, %dot_general3A_149 {dimension_numbers = #tpu.dot_dimension_numbers<[1], [0], [0], [1], [0, 0, 1, 1], [], []>, transpose_lhs_hint = false} : vector<256x256xbf16>, vector<256x1408xbf16>, vector<256x1408xf32> -> vector<256x1408xf32>
    %add3A_151 = arith.addf %broadcast_in_dim3A_138, %dot_general3A_150 : vector<256x1408xf32>
    %get3A_152 = arith.constant 0 : index
    %get3A_153 = arith.constant 0 : index
    %get3A_154 = arith.constant 1409 : index
    %get3A_155 = vector.load %arg1[%get3A_152, %get3A_153, %get3A_154] : memref<1x256x16000xbf16, #tpu.memory_space<vmem>>, vector<1x256x1408xbf16>
    %get3A_156 = vector.shape_cast %get3A_155 : vector<1x256x1408xbf16> to vector<256x1408xbf16>
    %get3A_157 = arith.constant 1 : index
    %get3A_158 = arith.constant 0 : index
    %get3A_159 = arith.constant 0 : index
    %get3A_160 = vector.load %arg2[%get3A_157, %get3A_158, %get3A_159] : memref<9x256x256xbf16, #tpu.memory_space<vmem>>, vector<1x256x256xbf16>
    %get3A_161 = vector.shape_cast %get3A_160 : vector<1x256x256xbf16> to vector<256x256xbf16>
    %dot_general3A_162 = arith.constant dense<0.000000e+00> : vector<256x1408xf32>
    %dot_general3A_163 = tpu.matmul %get3A_161, %get3A_156, %dot_general3A_162 {dimension_numbers = #tpu.dot_dimension_numbers<[1], [0], [0], [1], [0, 0, 1, 1], [], []>, transpose_lhs_hint = false} : vector<256x256xbf16>, vector<256x1408xbf16>, vector<256x1408xf32> -> vector<256x1408xf32>
    %add3A_164 = arith.addf %add3A_151, %dot_general3A_163 : vector<256x1408xf32>
    %get3A_165 = arith.constant 0 : index
    %get3A_166 = arith.constant 0 : index
    %get3A_167 = arith.constant 1410 : index
    %get3A_168 = vector.load %arg1[%get3A_165, %get3A_166, %get3A_167] : memref<1x256x16000xbf16, #tpu.memory_space<vmem>>, vector<1x256x1408xbf16>
    %get3A_169 = vector.shape_cast %get3A_168 : vector<1x256x1408xbf16> to vector<256x1408xbf16>
    %get3A_170 = arith.constant 2 : index
    %get3A_171 = arith.constant 0 : index
    %get3A_172 = arith.constant 0 : index
    %get3A_173 = vector.load %arg2[%get3A_170, %get3A_171, %get3A_172] : memref<9x256x256xbf16, #tpu.memory_space<vmem>>, vector<1x256x256xbf16>
    %get3A_174 = vector.shape_cast %get3A_173 : vector<1x256x256xbf16> to vector<256x256xbf16>
    %dot_general3A_175 = arith.constant dense<0.000000e+00> : vector<256x1408xf32>
    %dot_general3A_176 = tpu.matmul %get3A_174, %get3A_169, %dot_general3A_175 {dimension_numbers = #tpu.dot_dimension_numbers<[1], [0], [0], [1], [0, 0, 1, 1], [], []>, transpose_lhs_hint = false} : vector<256x256xbf16>, vector<256x1408xbf16>, vector<256x1408xf32> -> vector<256x1408xf32>
    %add3A_177 = arith.addf %add3A_164, %dot_general3A_176 : vector<256x1408xf32>
    %get3A_178 = arith.constant 0 : index
    %get3A_179 = arith.constant 0 : index
    %get3A_180 = arith.constant 1562 : index
    %get3A_181 = vector.load %arg1[%get3A_178, %get3A_179, %get3A_180] : memref<1x256x16000xbf16, #tpu.memory_space<vmem>>, vector<1x256x1408xbf16>
    %get3A_182 = vector.shape_cast %get3A_181 : vector<1x256x1408xbf16> to vector<256x1408xbf16>
    %get3A_183 = arith.constant 3 : index
    %get3A_184 = arith.constant 0 : index
    %get3A_185 = arith.constant 0 : index
    %get3A_186 = vector.load %arg2[%get3A_183, %get3A_184, %get3A_185] : memref<9x256x256xbf16, #tpu.memory_space<vmem>>, vector<1x256x256xbf16>
    %get3A_187 = vector.shape_cast %get3A_186 : vector<1x256x256xbf16> to vector<256x256xbf16>
    %dot_general3A_188 = arith.constant dense<0.000000e+00> : vector<256x1408xf32>
    %dot_general3A_189 = tpu.matmul %get3A_187, %get3A_182, %dot_general3A_188 {dimension_numbers = #tpu.dot_dimension_numbers<[1], [0], [0], [1], [0, 0, 1, 1], [], []>, transpose_lhs_hint = false} : vector<256x256xbf16>, vector<256x1408xbf16>, vector<256x1408xf32> -> vector<256x1408xf32>
    %add3A_190 = arith.addf %add3A_177, %dot_general3A_189 : vector<256x1408xf32>
    %get3A_191 = arith.constant 0 : index
    %get3A_192 = arith.constant 0 : index
    %get3A_193 = arith.constant 1563 : index
    %get3A_194 = vector.load %arg1[%get3A_191, %get3A_192, %get3A_193] : memref<1x256x16000xbf16, #tpu.memory_space<vmem>>, vector<1x256x1408xbf16>
    %get3A_195 = vector.shape_cast %get3A_194 : vector<1x256x1408xbf16> to vector<256x1408xbf16>
    %get3A_196 = arith.constant 4 : index
    %get3A_197 = arith.constant 0 : index
    %get3A_198 = arith.constant 0 : index
    %get3A_199 = vector.load %arg2[%get3A_196, %get3A_197, %get3A_198] : memref<9x256x256xbf16, #tpu.memory_space<vmem>>, vector<1x256x256xbf16>
    %get3A_200 = vector.shape_cast %get3A_199 : vector<1x256x256xbf16> to vector<256x256xbf16>
    %dot_general3A_201 = arith.constant dense<0.000000e+00> : vector<256x1408xf32>
    %dot_general3A_202 = tpu.matmul %get3A_200, %get3A_195, %dot_general3A_201 {dimension_numbers = #tpu.dot_dimension_numbers<[1], [0], [0], [1], [0, 0, 1, 1], [], []>, transpose_lhs_hint = false} : vector<256x256xbf16>, vector<256x1408xbf16>, vector<256x1408xf32> -> vector<256x1408xf32>
    %add3A_203 = arith.addf %add3A_190, %dot_general3A_202 : vector<256x1408xf32>
    %get3A_204 = arith.constant 0 : index
    %get3A_205 = arith.constant 0 : index
    %get3A_206 = arith.constant 1564 : index
    %get3A_207 = vector.load %arg1[%get3A_204, %get3A_205, %get3A_206] : memref<1x256x16000xbf16, #tpu.memory_space<vmem>>, vector<1x256x1408xbf16>
    %get3A_208 = vector.shape_cast %get3A_207 : vector<1x256x1408xbf16> to vector<256x1408xbf16>
    %get3A_209 = arith.constant 5 : index
    %get3A_210 = arith.constant 0 : index
    %get3A_211 = arith.constant 0 : index
    %get3A_212 = vector.load %arg2[%get3A_209, %get3A_210, %get3A_211] : memref<9x256x256xbf16, #tpu.memory_space<vmem>>, vector<1x256x256xbf16>
    %get3A_213 = vector.shape_cast %get3A_212 : vector<1x256x256xbf16> to vector<256x256xbf16>
    %dot_general3A_214 = arith.constant dense<0.000000e+00> : vector<256x1408xf32>
    %dot_general3A_215 = tpu.matmul %get3A_213, %get3A_208, %dot_general3A_214 {dimension_numbers = #tpu.dot_dimension_numbers<[1], [0], [0], [1], [0, 0, 1, 1], [], []>, transpose_lhs_hint = false} : vector<256x256xbf16>, vector<256x1408xbf16>, vector<256x1408xf32> -> vector<256x1408xf32>
    %add3A_216 = arith.addf %add3A_203, %dot_general3A_215 : vector<256x1408xf32>
    %get3A_217 = arith.constant 0 : index
    %get3A_218 = arith.constant 0 : index
    %get3A_219 = arith.constant 1716 : index
    %get3A_220 = vector.load %arg1[%get3A_217, %get3A_218, %get3A_219] : memref<1x256x16000xbf16, #tpu.memory_space<vmem>>, vector<1x256x1408xbf16>
    %get3A_221 = vector.shape_cast %get3A_220 : vector<1x256x1408xbf16> to vector<256x1408xbf16>
    %get3A_222 = arith.constant 6 : index
    %get3A_223 = arith.constant 0 : index
    %get3A_224 = arith.constant 0 : index
    %get3A_225 = vector.load %arg2[%get3A_222, %get3A_223, %get3A_224] : memref<9x256x256xbf16, #tpu.memory_space<vmem>>, vector<1x256x256xbf16>
    %get3A_226 = vector.shape_cast %get3A_225 : vector<1x256x256xbf16> to vector<256x256xbf16>
    %dot_general3A_227 = arith.constant dense<0.000000e+00> : vector<256x1408xf32>
    %dot_general3A_228 = tpu.matmul %get3A_226, %get3A_221, %dot_general3A_227 {dimension_numbers = #tpu.dot_dimension_numbers<[1], [0], [0], [1], [0, 0, 1, 1], [], []>, transpose_lhs_hint = false} : vector<256x256xbf16>, vector<256x1408xbf16>, vector<256x1408xf32> -> vector<256x1408xf32>
    %add3A_229 = arith.addf %add3A_216, %dot_general3A_228 : vector<256x1408xf32>
    %get3A_230 = arith.constant 0 : index
    %get3A_231 = arith.constant 0 : index
    %get3A_232 = arith.constant 1717 : index
    %get3A_233 = vector.load %arg1[%get3A_230, %get3A_231, %get3A_232] : memref<1x256x16000xbf16, #tpu.memory_space<vmem>>, vector<1x256x1408xbf16>
    %get3A_234 = vector.shape_cast %get3A_233 : vector<1x256x1408xbf16> to vector<256x1408xbf16>
    %get3A_235 = arith.constant 7 : index
    %get3A_236 = arith.constant 0 : index
    %get3A_237 = arith.constant 0 : index
    %get3A_238 = vector.load %arg2[%get3A_235, %get3A_236, %get3A_237] : memref<9x256x256xbf16, #tpu.memory_space<vmem>>, vector<1x256x256xbf16>
    %get3A_239 = vector.shape_cast %get3A_238 : vector<1x256x256xbf16> to vector<256x256xbf16>
    %dot_general3A_240 = arith.constant dense<0.000000e+00> : vector<256x1408xf32>
    %dot_general3A_241 = tpu.matmul %get3A_239, %get3A_234, %dot_general3A_240 {dimension_numbers = #tpu.dot_dimension_numbers<[1], [0], [0], [1], [0, 0, 1, 1], [], []>, transpose_lhs_hint = false} : vector<256x256xbf16>, vector<256x1408xbf16>, vector<256x1408xf32> -> vector<256x1408xf32>
    %add3A_242 = arith.addf %add3A_229, %dot_general3A_241 : vector<256x1408xf32>
    %get3A_243 = arith.constant 0 : index
    %get3A_244 = arith.constant 0 : index
    %get3A_245 = arith.constant 1718 : index
    %get3A_246 = vector.load %arg1[%get3A_243, %get3A_244, %get3A_245] : memref<1x256x16000xbf16, #tpu.memory_space<vmem>>, vector<1x256x1408xbf16>
    %get3A_247 = vector.shape_cast %get3A_246 : vector<1x256x1408xbf16> to vector<256x1408xbf16>
    %get3A_248 = arith.constant 8 : index
    %get3A_249 = arith.constant 0 : index
    %get3A_250 = arith.constant 0 : index
    %get3A_251 = vector.load %arg2[%get3A_248, %get3A_249, %get3A_250] : memref<9x256x256xbf16, #tpu.memory_space<vmem>>, vector<1x256x256xbf16>
    %get3A_252 = vector.shape_cast %get3A_251 : vector<1x256x256xbf16> to vector<256x256xbf16>
    %dot_general3A_253 = arith.constant dense<0.000000e+00> : vector<256x1408xf32>
    %dot_general3A_254 = tpu.matmul %get3A_252, %get3A_247, %dot_general3A_253 {dimension_numbers = #tpu.dot_dimension_numbers<[1], [0], [0], [1], [0, 0, 1, 1], [], []>, transpose_lhs_hint = false} : vector<256x256xbf16>, vector<256x1408xbf16>, vector<256x1408xf32> -> vector<256x1408xf32>
    %add3A_255 = arith.addf %add3A_242, %dot_general3A_254 : vector<256x1408xf32>
    %add3A_256 = vector.broadcast %get3A_1 : vector<256x1xf32> to vector<256x1408xf32>
    %add3A_257 = arith.addf %add3A_255, %add3A_256 : vector<256x1408xf32>
    %max3A_258 = arith.constant 0.000000e+00 : f32
    %max3A_259 = vector.broadcast %max3A_258 : f32 to vector<256x1408xf32>
    %max3A_260 = arith.maximumf %add3A_257, %max3A_259 : vector<256x1408xf32>
    %convert_element_type3A_261 = arith.truncf %max3A_260 : vector<256x1408xf32> to vector<256x1408xbf16>
    %dot_general3A_262 = arith.constant dense<0.000000e+00> : vector<16x1408xf32>
    %dot_general3A_263 = tpu.matmul %get3A_7, %convert_element_type3A_261, %dot_general3A_262 {dimension_numbers = #tpu.dot_dimension_numbers<[1], [0], [0], [1], [0, 0, 1, 1], [], []>, transpose_lhs_hint = false} : vector<16x256xbf16>, vector<256x1408xbf16>, vector<16x1408xf32> -> vector<16x1408xf32>
    %add3A_264 = vector.broadcast %get3A_4 : vector<16x1xf32> to vector<16x1408xf32>
    %add3A_265 = arith.addf %dot_general3A_263, %add3A_264 : vector<16x1408xf32>
    %swap3A_266 = arith.constant 0 : index
    %swap3A_267 = arith.constant 0 : index
    %swap3A_268 = arith.constant 1408 : index
    %swap3A_269 = vector.load %arg6[%swap3A_266, %swap3A_267, %swap3A_268] : memref<1x16x15488xf32, #tpu.memory_space<vmem>>, vector<1x16x1408xf32>
    %swap3A_270 = vector.shape_cast %swap3A_269 : vector<1x16x1408xf32> to vector<16x1408xf32>
    %swap3A_271 = vector.shape_cast %add3A_265 : vector<16x1408xf32> to vector<1x16x1408xf32>
    tpu.vector_store %arg6[%swap3A_266, %swap3A_267, %swap3A_268], %swap3A_271 {strides = array<i32>} : memref<1x16x15488xf32, #tpu.memory_space<vmem>>, vector<1x16x1408xf32>,
    %broadcast_in_dim3A_272 = arith.constant 0.000000e+00 : f32
    %broadcast_in_dim3A_273 = vector.broadcast %broadcast_in_dim3A_272 : f32 to vector<256x1408xf32>
    %get3A_274 = arith.constant 0 : index
    %get3A_275 = arith.constant 0 : index
    %get3A_276 = arith.constant 2816 : index
    %get3A_277 = vector.load %arg1[%get3A_274, %get3A_275, %get3A_276] : memref<1x256x16000xbf16, #tpu.memory_space<vmem>>, vector<1x256x1408xbf16>
    %get3A_278 = vector.shape_cast %get3A_277 : vector<1x256x1408xbf16> to vector<256x1408xbf16>
    %get3A_279 = arith.constant 0 : index
    %get3A_280 = arith.constant 0 : index
    %get3A_281 = arith.constant 0 : index
    %get3A_282 = vector.load %arg2[%get3A_279, %get3A_280, %get3A_281] : memref<9x256x256xbf16, #tpu.memory_space<vmem>>, vector<1x256x256xbf16>
    %get3A_283 = vector.shape_cast %get3A_282 : vector<1x256x256xbf16> to vector<256x256xbf16>
    %dot_general3A_284 = arith.constant dense<0.000000e+00> : vector<256x1408xf32>
    %dot_general3A_285 = tpu.matmul %get3A_283, %get3A_278, %dot_general3A_284 {dimension_numbers = #tpu.dot_dimension_numbers<[1], [0], [0], [1], [0, 0, 1, 1], [], []>, transpose_lhs_hint = false} : vector<256x256xbf16>, vector<256x1408xbf16>, vector<256x1408xf32> -> vector<256x1408xf32>
    %add3A_286 = arith.addf %broadcast_in_dim3A_273, %dot_general3A_285 : vector<256x1408xf32>
    %get3A_287 = arith.constant 0 : index
    %get3A_288 = arith.constant 0 : index
    %get3A_289 = arith.constant 2817 : index
    %get3A_290 = vector.load %arg1[%get3A_287, %get3A_288, %get3A_289] : memref<1x256x16000xbf16, #tpu.memory_space<vmem>>, vector<1x256x1408xbf16>
    %get3A_291 = vector.shape_cast %get3A_290 : vector<1x256x1408xbf16> to vector<256x1408xbf16>
    %get3A_292 = arith.constant 1 : index
    %get3A_293 = arith.constant 0 : index
    %get3A_294 = arith.constant 0 : index
    %get3A_295 = vector.load %arg2[%get3A_292, %get3A_293, %get3A_294] : memref<9x256x256xbf16, #tpu.memory_space<vmem>>, vector<1x256x256xbf16>
    %get3A_296 = vector.shape_cast %get3A_295 : vector<1x256x256xbf16> to vector<256x256xbf16>
    %dot_general3A_297 = arith.constant dense<0.000000e+00> : vector<256x1408xf32>
    %dot_general3A_298 = tpu.matmul %get3A_296, %get3A_291, %dot_general3A_297 {dimension_numbers = #tpu.dot_dimension_numbers<[1], [0], [0], [1], [0, 0, 1, 1], [], []>, transpose_lhs_hint = false} : vector<256x256xbf16>, vector<256x1408xbf16>, vector<256x1408xf32> -> vector<256x1408xf32>
    %add3A_299 = arith.addf %add3A_286, %dot_general3A_298 : vector<256x1408xf32>
    %get3A_300 = arith.constant 0 : index
    %get3A_301 = arith.constant 0 : index
    %get3A_302 = arith.constant 2818 : index
    %get3A_303 = vector.load %arg1[%get3A_300, %get3A_301, %get3A_302] : memref<1x256x16000xbf16, #tpu.memory_space<vmem>>, vector<1x256x1408xbf16>
    %get3A_304 = vector.shape_cast %get3A_303 : vector<1x256x1408xbf16> to vector<256x1408xbf16>
    %get3A_305 = arith.constant 2 : index
    %get3A_306 = arith.constant 0 : index
    %get3A_307 = arith.constant 0 : index
    %get3A_308 = vector.load %arg2[%get3A_305, %get3A_306, %get3A_307] : memref<9x256x256xbf16, #tpu.memory_space<vmem>>, vector<1x256x256xbf16>
    %get3A_309 = vector.shape_cast %get3A_308 : vector<1x256x256xbf16> to vector<256x256xbf16>
    %dot_general3A_310 = arith.constant dense<0.000000e+00> : vector<256x1408xf32>
    %dot_general3A_311 = tpu.matmul %get3A_309, %get3A_304, %dot_general3A_310 {dimension_numbers = #tpu.dot_dimension_numbers<[1], [0], [0], [1], [0, 0, 1, 1], [], []>, transpose_lhs_hint = false} : vector<256x256xbf16>, vector<256x1408xbf16>, vector<256x1408xf32> -> vector<256x1408xf32>
    %add3A_312 = arith.addf %add3A_299, %dot_general3A_311 : vector<256x1408xf32>
    %get3A_313 = arith.constant 0 : index
    %get3A_314 = arith.constant 0 : index
    %get3A_315 = arith.constant 2970 : index
    %get3A_316 = vector.load %arg1[%get3A_313, %get3A_314, %get3A_315] : memref<1x256x16000xbf16, #tpu.memory_space<vmem>>, vector<1x256x1408xbf16>
    %get3A_317 = vector.shape_cast %get3A_316 : vector<1x256x1408xbf16> to vector<256x1408xbf16>
    %get3A_318 = arith.constant 3 : index
    %get3A_319 = arith.constant 0 : index
    %get3A_320 = arith.constant 0 : index
    %get3A_321 = vector.load %arg2[%get3A_318, %get3A_319, %get3A_320] : memref<9x256x256xbf16, #tpu.memory_space<vmem>>, vector<1x256x256xbf16>
    %get3A_322 = vector.shape_cast %get3A_321 : vector<1x256x256xbf16> to vector<256x256xbf16>
    %dot_general3A_323 = arith.constant dense<0.000000e+00> : vector<256x1408xf32>
    %dot_general3A_324 = tpu.matmul %get3A_322, %get3A_317, %dot_general3A_323 {dimension_numbers = #tpu.dot_dimension_numbers<[1], [0], [0], [1], [0, 0, 1, 1], [], []>, transpose_lhs_hint = false} : vector<256x256xbf16>, vector<256x1408xbf16>, vector<256x1408xf32> -> vector<256x1408xf32>
    %add3A_325 = arith.addf %add3A_312, %dot_general3A_324 : vector<256x1408xf32>
    %get3A_326 = arith.constant 0 : index
    %get3A_327 = arith.constant 0 : index
    %get3A_328 = arith.constant 2971 : index
    %get3A_329 = vector.load %arg1[%get3A_326, %get3A_327, %get3A_328] : memref<1x256x16000xbf16, #tpu.memory_space<vmem>>, vector<1x256x1408xbf16>
    %get3A_330 = vector.shape_cast %get3A_329 : vector<1x256x1408xbf16> to vector<256x1408xbf16>
    %get3A_331 = arith.constant 4 : index
    %get3A_332 = arith.constant 0 : index
    %get3A_333 = arith.constant 0 : index
    %get3A_334 = vector.load %arg2[%get3A_331, %get3A_332, %get3A_333] : memref<9x256x256xbf16, #tpu.memory_space<vmem>>, vector<1x256x256xbf16>
    %get3A_335 = vector.shape_cast %get3A_334 : vector<1x256x256xbf16> to vector<256x256xbf16>
    %dot_general3A_336 = arith.constant dense<0.000000e+00> : vector<256x1408xf32>
    %dot_general3A_337 = tpu.matmul %get3A_335, %get3A_330, %dot_general3A_336 {dimension_numbers = #tpu.dot_dimension_numbers<[1], [0], [0], [1], [0, 0, 1, 1], [], []>, transpose_lhs_hint = false} : vector<256x256xbf16>, vector<256x1408xbf16>, vector<256x1408xf32> -> vector<256x1408xf32>
    %add3A_338 = arith.addf %add3A_325, %dot_general3A_337 : vector<256x1408xf32>
    %get3A_339 = arith.constant 0 : index
    %get3A_340 = arith.constant 0 : index
    %get3A_341 = arith.constant 2972 : index
    %get3A_342 = vector.load %arg1[%get3A_339, %get3A_340, %get3A_341] : memref<1x256x16000xbf16, #tpu.memory_space<vmem>>, vector<1x256x1408xbf16>
    %get3A_343 = vector.shape_cast %get3A_342 : vector<1x256x1408xbf16> to vector<256x1408xbf16>
    %get3A_344 = arith.constant 5 : index
    %get3A_345 = arith.constant 0 : index
    %get3A_346 = arith.constant 0 : index
    %get3A_347 = vector.load %arg2[%get3A_344, %get3A_345, %get3A_346] : memref<9x256x256xbf16, #tpu.memory_space<vmem>>, vector<1x256x256xbf16>
    %get3A_348 = vector.shape_cast %get3A_347 : vector<1x256x256xbf16> to vector<256x256xbf16>
    %dot_general3A_349 = arith.constant dense<0.000000e+00> : vector<256x1408xf32>
    %dot_general3A_350 = tpu.matmul %get3A_348, %get3A_343, %dot_general3A_349 {dimension_numbers = #tpu.dot_dimension_numbers<[1], [0], [0], [1], [0, 0, 1, 1], [], []>, transpose_lhs_hint = false} : vector<256x256xbf16>, vector<256x1408xbf16>, vector<256x1408xf32> -> vector<256x1408xf32>
    %add3A_351 = arith.addf %add3A_338, %dot_general3A_350 : vector<256x1408xf32>
    %get3A_352 = arith.constant 0 : index
    %get3A_353 = arith.constant 0 : index
    %get3A_354 = arith.constant 3124 : index
    %get3A_355 = vector.load %arg1[%get3A_352, %get3A_353, %get3A_354] : memref<1x256x16000xbf16, #tpu.memory_space<vmem>>, vector<1x256x1408xbf16>
    %get3A_356 = vector.shape_cast %get3A_355 : vector<1x256x1408xbf16> to vector<256x1408xbf16>
    %get3A_357 = arith.constant 6 : index
    %get3A_358 = arith.constant 0 : index
    %get3A_359 = arith.constant 0 : index
    %get3A_360 = vector.load %arg2[%get3A_357, %get3A_358, %get3A_359] : memref<9x256x256xbf16, #tpu.memory_space<vmem>>, vector<1x256x256xbf16>
    %get3A_361 = vector.shape_cast %get3A_360 : vector<1x256x256xbf16> to vector<256x256xbf16>
    %dot_general3A_362 = arith.constant dense<0.000000e+00> : vector<256x1408xf32>
    %dot_general3A_363 = tpu.matmul %get3A_361, %get3A_356, %dot_general3A_362 {dimension_numbers = #tpu.dot_dimension_numbers<[1], [0], [0], [1], [0, 0, 1, 1], [], []>, transpose_lhs_hint = false} : vector<256x256xbf16>, vector<256x1408xbf16>, vector<256x1408xf32> -> vector<256x1408xf32>
    %add3A_364 = arith.addf %add3A_351, %dot_general3A_363 : vector<256x1408xf32>
    %get3A_365 = arith.constant 0 : index
    %get3A_366 = arith.constant 0 : index
    %get3A_367 = arith.constant 3125 : index
    %get3A_368 = vector.load %arg1[%get3A_365, %get3A_366, %get3A_367] : memref<1x256x16000xbf16, #tpu.memory_space<vmem>>, vector<1x256x1408xbf16>
    %get3A_369 = vector.shape_cast %get3A_368 : vector<1x256x1408xbf16> to vector<256x1408xbf16>
    %get3A_370 = arith.constant 7 : index
    %get3A_371 = arith.constant 0 : index
    %get3A_372 = arith.constant 0 : index
    %get3A_373 = vector.load %arg2[%get3A_370, %get3A_371, %get3A_372] : memref<9x256x256xbf16, #tpu.memory_space<vmem>>, vector<1x256x256xbf16>
    %get3A_374 = vector.shape_cast %get3A_373 : vector<1x256x256xbf16> to vector<256x256xbf16>
    %dot_general3A_375 = arith.constant dense<0.000000e+00> : vector<256x1408xf32>
    %dot_general3A_376 = tpu.matmul %get3A_374, %get3A_369, %dot_general3A_375 {dimension_numbers = #tpu.dot_dimension_numbers<[1], [0], [0], [1], [0, 0, 1, 1], [], []>, transpose_lhs_hint = false} : vector<256x256xbf16>, vector<256x1408xbf16>, vector<256x1408xf32> -> vector<256x1408xf32>
    %add3A_377 = arith.addf %add3A_364, %dot_general3A_376 : vector<256x1408xf32>
    %get3A_378 = arith.constant 0 : index
    %get3A_379 = arith.constant 0 : index
    %get3A_380 = arith.constant 3126 : index
    %get3A_381 = vector.load %arg1[%get3A_378, %get3A_379, %get3A_380] : memref<1x256x16000xbf16, #tpu.memory_space<vmem>>, vector<1x256x1408xbf16>
    %get3A_382 = vector.shape_cast %get3A_381 : vector<1x256x1408xbf16> to vector<256x1408xbf16>
    %get3A_383 = arith.constant 8 : index
    %get3A_384 = arith.constant 0 : index
    %get3A_385 = arith.constant 0 : index
    %get3A_386 = vector.load %arg2[%get3A_383, %get3A_384, %get3A_385] : memref<9x256x256xbf16, #tpu.memory_space<vmem>>, vector<1x256x256xbf16>
    %get3A_387 = vector.shape_cast %get3A_386 : vector<1x256x256xbf16> to vector<256x256xbf16>
    %dot_general3A_388 = arith.constant dense<0.000000e+00> : vector<256x1408xf32>
    %dot_general3A_389 = tpu.matmul %get3A_387, %get3A_382, %dot_general3A_388 {dimension_numbers = #tpu.dot_dimension_numbers<[1], [0], [0], [1], [0, 0, 1, 1], [], []>, transpose_lhs_hint = false} : vector<256x256xbf16>, vector<256x1408xbf16>, vector<256x1408xf32> -> vector<256x1408xf32>
    %add3A_390 = arith.addf %add3A_377, %dot_general3A_389 : vector<256x1408xf32>
    %add3A_391 = vector.broadcast %get3A_1 : vector<256x1xf32> to vector<256x1408xf32>
    %add3A_392 = arith.addf %add3A_390, %add3A_391 : vector<256x1408xf32>
    %max3A_393 = arith.constant 0.000000e+00 : f32
    %max3A_394 = vector.broadcast %max3A_393 : f32 to vector<256x1408xf32>
    %max3A_395 = arith.maximumf %add3A_392, %max3A_394 : vector<256x1408xf32>
    %convert_element_type3A_396 = arith.truncf %max3A_395 : vector<256x1408xf32> to vector<256x1408xbf16>
    %dot_general3A_397 = arith.constant dense<0.000000e+00> : vector<16x1408xf32>
    %dot_general3A_398 = tpu.matmul %get3A_7, %convert_element_type3A_396, %dot_general3A_397 {dimension_numbers = #tpu.dot_dimension_numbers<[1], [0], [0], [1], [0, 0, 1, 1], [], []>, transpose_lhs_hint = false} : vector<16x256xbf16>, vector<256x1408xbf16>, vector<16x1408xf32> -> vector<16x1408xf32>
    %add3A_399 = vector.broadcast %get3A_4 : vector<16x1xf32> to vector<16x1408xf32>
    %add3A_400 = arith.addf %dot_general3A_398, %add3A_399 : vector<16x1408xf32>
    %swap3A_401 = arith.constant 0 : index
    %swap3A_402 = arith.constant 0 : index
    %swap3A_403 = arith.constant 2816 : index
    %swap3A_404 = vector.load %arg6[%swap3A_401, %swap3A_402, %swap3A_403] : memref<1x16x15488xf32, #tpu.memory_space<vmem>>, vector<1x16x1408xf32>
    %swap3A_405 = vector.shape_cast %swap3A_404 : vector<1x16x1408xf32> to vector<16x1408xf32>
    %swap3A_406 = vector.shape_cast %add3A_400 : vector<16x1408xf32> to vector<1x16x1408xf32>
    tpu.vector_store %arg6[%swap3A_401, %swap3A_402, %swap3A_403], %swap3A_406 {strides = array<i32>} : memref<1x16x15488xf32, #tpu.memory_space<vmem>>, vector<1x16x1408xf32>,
    %broadcast_in_dim3A_407 = arith.constant 0.000000e+00 : f32
    %broadcast_in_dim3A_408 = vector.broadcast %broadcast_in_dim3A_407 : f32 to vector<256x1408xf32>
    %get3A_409 = arith.constant 0 : index
    %get3A_410 = arith.constant 0 : index
    %get3A_411 = arith.constant 4224 : index
    %get3A_412 = vector.load %arg1[%get3A_409, %get3A_410, %get3A_411] : memref<1x256x16000xbf16, #tpu.memory_space<vmem>>, vector<1x256x1408xbf16>
    %get3A_413 = vector.shape_cast %get3A_412 : vector<1x256x1408xbf16> to vector<256x1408xbf16>
    %get3A_414 = arith.constant 0 : index
    %get3A_415 = arith.constant 0 : index
    %get3A_416 = arith.constant 0 : index
    %get3A_417 = vector.load %arg2[%get3A_414, %get3A_415, %get3A_416] : memref<9x256x256xbf16, #tpu.memory_space<vmem>>, vector<1x256x256xbf16>
    %get3A_418 = vector.shape_cast %get3A_417 : vector<1x256x256xbf16> to vector<256x256xbf16>
    %dot_general3A_419 = arith.constant dense<0.000000e+00> : vector<256x1408xf32>
    %dot_general3A_420 = tpu.matmul %get3A_418, %get3A_413, %dot_general3A_419 {dimension_numbers = #tpu.dot_dimension_numbers<[1], [0], [0], [1], [0, 0, 1, 1], [], []>, transpose_lhs_hint = false} : vector<256x256xbf16>, vector<256x1408xbf16>, vector<256x1408xf32> -> vector<256x1408xf32>
    %add3A_421 = arith.addf %broadcast_in_dim3A_408, %dot_general3A_420 : vector<256x1408xf32>
    %get3A_422 = arith.constant 0 : index
    %get3A_423 = arith.constant 0 : index
    %get3A_424 = arith.constant 4225 : index
    %get3A_425 = vector.load %arg1[%get3A_422, %get3A_423, %get3A_424] : memref<1x256x16000xbf16, #tpu.memory_space<vmem>>, vector<1x256x1408xbf16>
    %get3A_426 = vector.shape_cast %get3A_425 : vector<1x256x1408xbf16> to vector<256x1408xbf16>
    %get3A_427 = arith.constant 1 : index
    %get3A_428 = arith.constant 0 : index
    %get3A_429 = arith.constant 0 : index
    %get3A_430 = vector.load %arg2[%get3A_427, %get3A_428, %get3A_429] : memref<9x256x256xbf16, #tpu.memory_space<vmem>>, vector<1x256x256xbf16>
    %get3A_431 = vector.shape_cast %get3A_430 : vector<1x256x256xbf16> to vector<256x256xbf16>
    %dot_general3A_432 = arith.constant dense<0.000000e+00> : vector<256x1408xf32>
    %dot_general3A_433 = tpu.matmul %get3A_431, %get3A_426, %dot_general3A_432 {dimension_numbers = #tpu.dot_dimension_numbers<[1], [0], [0], [1], [0, 0, 1, 1], [], []>, transpose_lhs_hint = false} : vector<256x256xbf16>, vector<256x1408xbf16>, vector<256x1408xf32> -> vector<256x1408xf32>
    %add3A_434 = arith.addf %add3A_421, %dot_general3A_433 : vector<256x1408xf32>
    %get3A_435 = arith.constant 0 : index
    %get3A_436 = arith.constant 0 : index
    %get3A_437 = arith.constant 4226 : index
    %get3A_438 = vector.load %arg1[%get3A_435, %get3A_436, %get3A_437] : memref<1x256x16000xbf16, #tpu.memory_space<vmem>>, vector<1x256x1408xbf16>
    %get3A_439 = vector.shape_cast %get3A_438 : vector<1x256x1408xbf16> to vector<256x1408xbf16>
    %get3A_440 = arith.constant 2 : index
    %get3A_441 = arith.constant 0 : index
    %get3A_442 = arith.constant 0 : index
    %get3A_443 = vector.load %arg2[%get3A_440, %get3A_441, %get3A_442] : memref<9x256x256xbf16, #tpu.memory_space<vmem>>, vector<1x256x256xbf16>
    %get3A_444 = vector.shape_cast %get3A_443 : vector<1x256x256xbf16> to vector<256x256xbf16>
    %dot_general3A_445 = arith.constant dense<0.000000e+00> : vector<256x1408xf32>
    %dot_general3A_446 = tpu.matmul %get3A_444, %get3A_439, %dot_general3A_445 {dimension_numbers = #tpu.dot_dimension_numbers<[1], [0], [0], [1], [0, 0, 1, 1], [], []>, transpose_lhs_hint = false} : vector<256x256xbf16>, vector<256x1408xbf16>, vector<256x1408xf32> -> vector<256x1408xf32>
    %add3A_447 = arith.addf %add3A_434, %dot_general3A_446 : vector<256x1408xf32>
    %get3A_448 = arith.constant 0 : index
    %get3A_449 = arith.constant 0 : index
    %get3A_450 = arith.constant 4378 : index
    %get3A_451 = vector.load %arg1[%get3A_448, %get3A_449, %get3A_450] : memref<1x256x16000xbf16, #tpu.memory_space<vmem>>, vector<1x256x1408xbf16>
    %get3A_452 = vector.shape_cast %get3A_451 : vector<1x256x1408xbf16> to vector<256x1408xbf16>
    %get3A_453 = arith.constant 3 : index
    %get3A_454 = arith.constant 0 : index
    %get3A_455 = arith.constant 0 : index
    %get3A_456 = vector.load %arg2[%get3A_453, %get3A_454, %get3A_455] : memref<9x256x256xbf16, #tpu.memory_space<vmem>>, vector<1x256x256xbf16>
    %get3A_457 = vector.shape_cast %get3A_456 : vector<1x256x256xbf16> to vector<256x256xbf16>
    %dot_general3A_458 = arith.constant dense<0.000000e+00> : vector<256x1408xf32>
    %dot_general3A_459 = tpu.matmul %get3A_457, %get3A_452, %dot_general3A_458 {dimension_numbers = #tpu.dot_dimension_numbers<[1], [0], [0], [1], [0, 0, 1, 1], [], []>, transpose_lhs_hint = false} : vector<256x256xbf16>, vector<256x1408xbf16>, vector<256x1408xf32> -> vector<256x1408xf32>
    %add3A_460 = arith.addf %add3A_447, %dot_general3A_459 : vector<256x1408xf32>
    %get3A_461 = arith.constant 0 : index
    %get3A_462 = arith.constant 0 : index
    %get3A_463 = arith.constant 4379 : index
    %get3A_464 = vector.load %arg1[%get3A_461, %get3A_462, %get3A_463] : memref<1x256x16000xbf16, #tpu.memory_space<vmem>>, vector<1x256x1408xbf16>
    %get3A_465 = vector.shape_cast %get3A_464 : vector<1x256x1408xbf16> to vector<256x1408xbf16>
    %get3A_466 = arith.constant 4 : index
    %get3A_467 = arith.constant 0 : index
    %get3A_468 = arith.constant 0 : index
    %get3A_469 = vector.load %arg2[%get3A_466, %get3A_467, %get3A_468] : memref<9x256x256xbf16, #tpu.memory_space<vmem>>, vector<1x256x256xbf16>
    %get3A_470 = vector.shape_cast %get3A_469 : vector<1x256x256xbf16> to vector<256x256xbf16>
    %dot_general3A_471 = arith.constant dense<0.000000e+00> : vector<256x1408xf32>
    %dot_general3A_472 = tpu.matmul %get3A_470, %get3A_465, %dot_general3A_471 {dimension_numbers = #tpu.dot_dimension_numbers<[1], [0], [0], [1], [0, 0, 1, 1], [], []>, transpose_lhs_hint = false} : vector<256x256xbf16>, vector<256x1408xbf16>, vector<256x1408xf32> -> vector<256x1408xf32>
    %add3A_473 = arith.addf %add3A_460, %dot_general3A_472 : vector<256x1408xf32>
    %get3A_474 = arith.constant 0 : index
    %get3A_475 = arith.constant 0 : index
    %get3A_476 = arith.constant 4380 : index
    %get3A_477 = vector.load %arg1[%get3A_474, %get3A_475, %get3A_476] : memref<1x256x16000xbf16, #tpu.memory_space<vmem>>, vector<1x256x1408xbf16>
    %get3A_478 = vector.shape_cast %get3A_477 : vector<1x256x1408xbf16> to vector<256x1408xbf16>
    %get3A_479 = arith.constant 5 : index
    %get3A_480 = arith.constant 0 : index
    %get3A_481 = arith.constant 0 : index
    %get3A_482 = vector.load %arg2[%get3A_479, %get3A_480, %get3A_481] : memref<9x256x256xbf16, #tpu.memory_space<vmem>>, vector<1x256x256xbf16>
    %get3A_483 = vector.shape_cast %get3A_482 : vector<1x256x256xbf16> to vector<256x256xbf16>
    %dot_general3A_484 = arith.constant dense<0.000000e+00> : vector<256x1408xf32>
    %dot_general3A_485 = tpu.matmul %get3A_483, %get3A_478, %dot_general3A_484 {dimension_numbers = #tpu.dot_dimension_numbers<[1], [0], [0], [1], [0, 0, 1, 1], [], []>, transpose_lhs_hint = false} : vector<256x256xbf16>, vector<256x1408xbf16>, vector<256x1408xf32> -> vector<256x1408xf32>
    %add3A_486 = arith.addf %add3A_473, %dot_general3A_485 : vector<256x1408xf32>
    %get3A_487 = arith.constant 0 : index
    %get3A_488 = arith.constant 0 : index
    %get3A_489 = arith.constant 4532 : index
    %get3A_490 = vector.load %arg1[%get3A_487, %get3A_488, %get3A_489] : memref<1x256x16000xbf16, #tpu.memory_space<vmem>>, vector<1x256x1408xbf16>
    %get3A_491 = vector.shape_cast %get3A_490 : vector<1x256x1408xbf16> to vector<256x1408xbf16>
    %get3A_492 = arith.constant 6 : index
    %get3A_493 = arith.constant 0 : index
    %get3A_494 = arith.constant 0 : index
    %get3A_495 = vector.load %arg2[%get3A_492, %get3A_493, %get3A_494] : memref<9x256x256xbf16, #tpu.memory_space<vmem>>, vector<1x256x256xbf16>
    %get3A_496 = vector.shape_cast %get3A_495 : vector<1x256x256xbf16> to vector<256x256xbf16>
    %dot_general3A_497 = arith.constant dense<0.000000e+00> : vector<256x1408xf32>
    %dot_general3A_498 = tpu.matmul %get3A_496, %get3A_491, %dot_general3A_497 {dimension_numbers = #tpu.dot_dimension_numbers<[1], [0], [0], [1], [0, 0, 1, 1], [], []>, transpose_lhs_hint = false} : vector<256x256xbf16>, vector<256x1408xbf16>, vector<256x1408xf32> -> vector<256x1408xf32>
    %add3A_499 = arith.addf %add3A_486, %dot_general3A_498 : vector<256x1408xf32>
    %get3A_500 = arith.constant 0 : index
    %get3A_501 = arith.constant 0 : index
    %get3A_502 = arith.constant 4533 : index
    %get3A_503 = vector.load %arg1[%get3A_500, %get3A_501, %get3A_502] : memref<1x256x16000xbf16, #tpu.memory_space<vmem>>, vector<1x256x1408xbf16>
    %get3A_504 = vector.shape_cast %get3A_503 : vector<1x256x1408xbf16> to vector<256x1408xbf16>
    %get3A_505 = arith.constant 7 : index
    %get3A_506 = arith.constant 0 : index
    %get3A_507 = arith.constant 0 : index
    %get3A_508 = vector.load %arg2[%get3A_505, %get3A_506, %get3A_507] : memref<9x256x256xbf16, #tpu.memory_space<vmem>>, vector<1x256x256xbf16>
    %get3A_509 = vector.shape_cast %get3A_508 : vector<1x256x256xbf16> to vector<256x256xbf16>
    %dot_general3A_510 = arith.constant dense<0.000000e+00> : vector<256x1408xf32>
    %dot_general3A_511 = tpu.matmul %get3A_509, %get3A_504, %dot_general3A_510 {dimension_numbers = #tpu.dot_dimension_numbers<[1], [0], [0], [1], [0, 0, 1, 1], [], []>, transpose_lhs_hint = false} : vector<256x256xbf16>, vector<256x1408xbf16>, vector<256x1408xf32> -> vector<256x1408xf32>
    %add3A_512 = arith.addf %add3A_499, %dot_general3A_511 : vector<256x1408xf32>
    %get3A_513 = arith.constant 0 : index
    %get3A_514 = arith.constant 0 : index
    %get3A_515 = arith.constant 4534 : index
    %get3A_516 = vector.load %arg1[%get3A_513, %get3A_514, %get3A_515] : memref<1x256x16000xbf16, #tpu.memory_space<vmem>>, vector<1x256x1408xbf16>
    %get3A_517 = vector.shape_cast %get3A_516 : vector<1x256x1408xbf16> to vector<256x1408xbf16>
    %get3A_518 = arith.constant 8 : index
    %get3A_519 = arith.constant 0 : index
    %get3A_520 = arith.constant 0 : index
    %get3A_521 = vector.load %arg2[%get3A_518, %get3A_519, %get3A_520] : memref<9x256x256xbf16, #tpu.memory_space<vmem>>, vector<1x256x256xbf16>
    %get3A_522 = vector.shape_cast %get3A_521 : vector<1x256x256xbf16> to vector<256x256xbf16>
    %dot_general3A_523 = arith.constant dense<0.000000e+00> : vector<256x1408xf32>
    %dot_general3A_524 = tpu.matmul %get3A_522, %get3A_517, %dot_general3A_523 {dimension_numbers = #tpu.dot_dimension_numbers<[1], [0], [0], [1], [0, 0, 1, 1], [], []>, transpose_lhs_hint = false} : vector<256x256xbf16>, vector<256x1408xbf16>, vector<256x1408xf32> -> vector<256x1408xf32>
    %add3A_525 = arith.addf %add3A_512, %dot_general3A_524 : vector<256x1408xf32>
    %add3A_526 = vector.broadcast %get3A_1 : vector<256x1xf32> to vector<256x1408xf32>
    %add3A_527 = arith.addf %add3A_525, %add3A_526 : vector<256x1408xf32>
    %max3A_528 = arith.constant 0.000000e+00 : f32
    %max3A_529 = vector.broadcast %max3A_528 : f32 to vector<256x1408xf32>
    %max3A_530 = arith.maximumf %add3A_527, %max3A_529 : vector<256x1408xf32>
    %convert_element_type3A_531 = arith.truncf %max3A_530 : vector<256x1408xf32> to vector<256x1408xbf16>
    %dot_general3A_532 = arith.constant dense<0.000000e+00> : vector<16x1408xf32>
    %dot_general3A_533 = tpu.matmul %get3A_7, %convert_element_type3A_531, %dot_general3A_532 {dimension_numbers = #tpu.dot_dimension_numbers<[1], [0], [0], [1], [0, 0, 1, 1], [], []>, transpose_lhs_hint = false} : vector<16x256xbf16>, vector<256x1408xbf16>, vector<16x1408xf32> -> vector<16x1408xf32>
    %add3A_534 = vector.broadcast %get3A_4 : vector<16x1xf32> to vector<16x1408xf32>
    %add3A_535 = arith.addf %dot_general3A_533, %add3A_534 : vector<16x1408xf32>
    %swap3A_536 = arith.constant 0 : index
    %swap3A_537 = arith.constant 0 : index
    %swap3A_538 = arith.constant 4224 : index
    %swap3A_539 = vector.load %arg6[%swap3A_536, %swap3A_537, %swap3A_538] : memref<1x16x15488xf32, #tpu.memory_space<vmem>>, vector<1x16x1408xf32>
    %swap3A_540 = vector.shape_cast %swap3A_539 : vector<1x16x1408xf32> to vector<16x1408xf32>
    %swap3A_541 = vector.shape_cast %add3A_535 : vector<16x1408xf32> to vector<1x16x1408xf32>
    tpu.vector_store %arg6[%swap3A_536, %swap3A_537, %swap3A_538], %swap3A_541 {strides = array<i32>} : memref<1x16x15488xf32, #tpu.memory_space<vmem>>, vector<1x16x1408xf32>,
    %broadcast_in_dim3A_542 = arith.constant 0.000000e+00 : f32
    %broadcast_in_dim3A_543 = vector.broadcast %broadcast_in_dim3A_542 : f32 to vector<256x1408xf32>
    %get3A_544 = arith.constant 0 : index
    %get3A_545 = arith.constant 0 : index
    %get3A_546 = arith.constant 5632 : index
    %get3A_547 = vector.load %arg1[%get3A_544, %get3A_545, %get3A_546] : memref<1x256x16000xbf16, #tpu.memory_space<vmem>>, vector<1x256x1408xbf16>
    %get3A_548 = vector.shape_cast %get3A_547 : vector<1x256x1408xbf16> to vector<256x1408xbf16>
    %get3A_549 = arith.constant 0 : index
    %get3A_550 = arith.constant 0 : index
    %get3A_551 = arith.constant 0 : index
    %get3A_552 = vector.load %arg2[%get3A_549, %get3A_550, %get3A_551] : memref<9x256x256xbf16, #tpu.memory_space<vmem>>, vector<1x256x256xbf16>
    %get3A_553 = vector.shape_cast %get3A_552 : vector<1x256x256xbf16> to vector<256x256xbf16>
    %dot_general3A_554 = arith.constant dense<0.000000e+00> : vector<256x1408xf32>
    %dot_general3A_555 = tpu.matmul %get3A_553, %get3A_548, %dot_general3A_554 {dimension_numbers = #tpu.dot_dimension_numbers<[1], [0], [0], [1], [0, 0, 1, 1], [], []>, transpose_lhs_hint = false} : vector<256x256xbf16>, vector<256x1408xbf16>, vector<256x1408xf32> -> vector<256x1408xf32>
    %add3A_556 = arith.addf %broadcast_in_dim3A_543, %dot_general3A_555 : vector<256x1408xf32>
    %get3A_557 = arith.constant 0 : index
    %get3A_558 = arith.constant 0 : index
    %get3A_559 = arith.constant 5633 : index
    %get3A_560 = vector.load %arg1[%get3A_557, %get3A_558, %get3A_559] : memref<1x256x16000xbf16, #tpu.memory_space<vmem>>, vector<1x256x1408xbf16>
    %get3A_561 = vector.shape_cast %get3A_560 : vector<1x256x1408xbf16> to vector<256x1408xbf16>
    %get3A_562 = arith.constant 1 : index
    %get3A_563 = arith.constant 0 : index
    %get3A_564 = arith.constant 0 : index
    %get3A_565 = vector.load %arg2[%get3A_562, %get3A_563, %get3A_564] : memref<9x256x256xbf16, #tpu.memory_space<vmem>>, vector<1x256x256xbf16>
    %get3A_566 = vector.shape_cast %get3A_565 : vector<1x256x256xbf16> to vector<256x256xbf16>
    %dot_general3A_567 = arith.constant dense<0.000000e+00> : vector<256x1408xf32>
    %dot_general3A_568 = tpu.matmul %get3A_566, %get3A_561, %dot_general3A_567 {dimension_numbers = #tpu.dot_dimension_numbers<[1], [0], [0], [1], [0, 0, 1, 1], [], []>, transpose_lhs_hint = false} : vector<256x256xbf16>, vector<256x1408xbf16>, vector<256x1408xf32> -> vector<256x1408xf32>
    %add3A_569 = arith.addf %add3A_556, %dot_general3A_568 : vector<256x1408xf32>
    %get3A_570 = arith.constant 0 : index
    %get3A_571 = arith.constant 0 : index
    %get3A_572 = arith.constant 5634 : index
    %get3A_573 = vector.load %arg1[%get3A_570, %get3A_571, %get3A_572] : memref<1x256x16000xbf16, #tpu.memory_space<vmem>>, vector<1x256x1408xbf16>
    %get3A_574 = vector.shape_cast %get3A_573 : vector<1x256x1408xbf16> to vector<256x1408xbf16>
    %get3A_575 = arith.constant 2 : index
    %get3A_576 = arith.constant 0 : index
    %get3A_577 = arith.constant 0 : index
    %get3A_578 = vector.load %arg2[%get3A_575, %get3A_576, %get3A_577] : memref<9x256x256xbf16, #tpu.memory_space<vmem>>, vector<1x256x256xbf16>
    %get3A_579 = vector.shape_cast %get3A_578 : vector<1x256x256xbf16> to vector<256x256xbf16>
    %dot_general3A_580 = arith.constant dense<0.000000e+00> : vector<256x1408xf32>
    %dot_general3A_581 = tpu.matmul %get3A_579, %get3A_574, %dot_general3A_580 {dimension_numbers = #tpu.dot_dimension_numbers<[1], [0], [0], [1], [0, 0, 1, 1], [], []>, transpose_lhs_hint = false} : vector<256x256xbf16>, vector<256x1408xbf16>, vector<256x1408xf32> -> vector<256x1408xf32>
    %add3A_582 = arith.addf %add3A_569, %dot_general3A_581 : vector<256x1408xf32>
    %get3A_583 = arith.constant 0 : index
    %get3A_584 = arith.constant 0 : index
    %get3A_585 = arith.constant 5786 : index
    %get3A_586 = vector.load %arg1[%get3A_583, %get3A_584, %get3A_585] : memref<1x256x16000xbf16, #tpu.memory_space<vmem>>, vector<1x256x1408xbf16>
    %get3A_587 = vector.shape_cast %get3A_586 : vector<1x256x1408xbf16> to vector<256x1408xbf16>
    %get3A_588 = arith.constant 3 : index
    %get3A_589 = arith.constant 0 : index
    %get3A_590 = arith.constant 0 : index
    %get3A_591 = vector.load %arg2[%get3A_588, %get3A_589, %get3A_590] : memref<9x256x256xbf16, #tpu.memory_space<vmem>>, vector<1x256x256xbf16>
    %get3A_592 = vector.shape_cast %get3A_591 : vector<1x256x256xbf16> to vector<256x256xbf16>
    %dot_general3A_593 = arith.constant dense<0.000000e+00> : vector<256x1408xf32>
    %dot_general3A_594 = tpu.matmul %get3A_592, %get3A_587, %dot_general3A_593 {dimension_numbers = #tpu.dot_dimension_numbers<[1], [0], [0], [1], [0, 0, 1, 1], [], []>, transpose_lhs_hint = false} : vector<256x256xbf16>, vector<256x1408xbf16>, vector<256x1408xf32> -> vector<256x1408xf32>
    %add3A_595 = arith.addf %add3A_582, %dot_general3A_594 : vector<256x1408xf32>
    %get3A_596 = arith.constant 0 : index
    %get3A_597 = arith.constant 0 : index
    %get3A_598 = arith.constant 5787 : index
    %get3A_599 = vector.load %arg1[%get3A_596, %get3A_597, %get3A_598] : memref<1x256x16000xbf16, #tpu.memory_space<vmem>>, vector<1x256x1408xbf16>
    %get3A_600 = vector.shape_cast %get3A_599 : vector<1x256x1408xbf16> to vector<256x1408xbf16>
    %get3A_601 = arith.constant 4 : index
    %get3A_602 = arith.constant 0 : index
    %get3A_603 = arith.constant 0 : index
    %get3A_604 = vector.load %arg2[%get3A_601, %get3A_602, %get3A_603] : memref<9x256x256xbf16, #tpu.memory_space<vmem>>, vector<1x256x256xbf16>
    %get3A_605 = vector.shape_cast %get3A_604 : vector<1x256x256xbf16> to vector<256x256xbf16>
    %dot_general3A_606 = arith.constant dense<0.000000e+00> : vector<256x1408xf32>
    %dot_general3A_607 = tpu.matmul %get3A_605, %get3A_600, %dot_general3A_606 {dimension_numbers = #tpu.dot_dimension_numbers<[1], [0], [0], [1], [0, 0, 1, 1], [], []>, transpose_lhs_hint = false} : vector<256x256xbf16>, vector<256x1408xbf16>, vector<256x1408xf32> -> vector<256x1408xf32>
    %add3A_608 = arith.addf %add3A_595, %dot_general3A_607 : vector<256x1408xf32>
    %get3A_609 = arith.constant 0 : index
    %get3A_610 = arith.constant 0 : index
    %get3A_611 = arith.constant 5788 : index
    %get3A_612 = vector.load %arg1[%get3A_609, %get3A_610, %get3A_611] : memref<1x256x16000xbf16, #tpu.memory_space<vmem>>, vector<1x256x1408xbf16>
    %get3A_613 = vector.shape_cast %get3A_612 : vector<1x256x1408xbf16> to vector<256x1408xbf16>
    %get3A_614 = arith.constant 5 : index
    %get3A_615 = arith.constant 0 : index
    %get3A_616 = arith.constant 0 : index
    %get3A_617 = vector.load %arg2[%get3A_614, %get3A_615, %get3A_616] : memref<9x256x256xbf16, #tpu.memory_space<vmem>>, vector<1x256x256xbf16>
    %get3A_618 = vector.shape_cast %get3A_617 : vector<1x256x256xbf16> to vector<256x256xbf16>
    %dot_general3A_619 = arith.constant dense<0.000000e+00> : vector<256x1408xf32>
    %dot_general3A_620 = tpu.matmul %get3A_618, %get3A_613, %dot_general3A_619 {dimension_numbers = #tpu.dot_dimension_numbers<[1], [0], [0], [1], [0, 0, 1, 1], [], []>, transpose_lhs_hint = false} : vector<256x256xbf16>, vector<256x1408xbf16>, vector<256x1408xf32> -> vector<256x1408xf32>
    %add3A_621 = arith.addf %add3A_608, %dot_general3A_620 : vector<256x1408xf32>
    %get3A_622 = arith.constant 0 : index
    %get3A_623 = arith.constant 0 : index
    %get3A_624 = arith.constant 5940 : index
    %get3A_625 = vector.load %arg1[%get3A_622, %get3A_623, %get3A_624] : memref<1x256x16000xbf16, #tpu.memory_space<vmem>>, vector<1x256x1408xbf16>
    %get3A_626 = vector.shape_cast %get3A_625 : vector<1x256x1408xbf16> to vector<256x1408xbf16>
    %get3A_627 = arith.constant 6 : index
    %get3A_628 = arith.constant 0 : index
    %get3A_629 = arith.constant 0 : index
    %get3A_630 = vector.load %arg2[%get3A_627, %get3A_628, %get3A_629] : memref<9x256x256xbf16, #tpu.memory_space<vmem>>, vector<1x256x256xbf16>
    %get3A_631 = vector.shape_cast %get3A_630 : vector<1x256x256xbf16> to vector<256x256xbf16>
    %dot_general3A_632 = arith.constant dense<0.000000e+00> : vector<256x1408xf32>
    %dot_general3A_633 = tpu.matmul %get3A_631, %get3A_626, %dot_general3A_632 {dimension_numbers = #tpu.dot_dimension_numbers<[1], [0], [0], [1], [0, 0, 1, 1], [], []>, transpose_lhs_hint = false} : vector<256x256xbf16>, vector<256x1408xbf16>, vector<256x1408xf32> -> vector<256x1408xf32>
    %add3A_634 = arith.addf %add3A_621, %dot_general3A_633 : vector<256x1408xf32>
    %get3A_635 = arith.constant 0 : index
    %get3A_636 = arith.constant 0 : index
    %get3A_637 = arith.constant 5941 : index
    %get3A_638 = vector.load %arg1[%get3A_635, %get3A_636, %get3A_637] : memref<1x256x16000xbf16, #tpu.memory_space<vmem>>, vector<1x256x1408xbf16>
    %get3A_639 = vector.shape_cast %get3A_638 : vector<1x256x1408xbf16> to vector<256x1408xbf16>
    %get3A_640 = arith.constant 7 : index
    %get3A_641 = arith.constant 0 : index
    %get3A_642 = arith.constant 0 : index
    %get3A_643 = vector.load %arg2[%get3A_640, %get3A_641, %get3A_642] : memref<9x256x256xbf16, #tpu.memory_space<vmem>>, vector<1x256x256xbf16>
    %get3A_644 = vector.shape_cast %get3A_643 : vector<1x256x256xbf16> to vector<256x256xbf16>
    %dot_general3A_645 = arith.constant dense<0.000000e+00> : vector<256x1408xf32>
    %dot_general3A_646 = tpu.matmul %get3A_644, %get3A_639, %dot_general3A_645 {dimension_numbers = #tpu.dot_dimension_numbers<[1], [0], [0], [1], [0, 0, 1, 1], [], []>, transpose_lhs_hint = false} : vector<256x256xbf16>, vector<256x1408xbf16>, vector<256x1408xf32> -> vector<256x1408xf32>
    %add3A_647 = arith.addf %add3A_634, %dot_general3A_646 : vector<256x1408xf32>
    %get3A_648 = arith.constant 0 : index
    %get3A_649 = arith.constant 0 : index
    %get3A_650 = arith.constant 5942 : index
    %get3A_651 = vector.load %arg1[%get3A_648, %get3A_649, %get3A_650] : memref<1x256x16000xbf16, #tpu.memory_space<vmem>>, vector<1x256x1408xbf16>
    %get3A_652 = vector.shape_cast %get3A_651 : vector<1x256x1408xbf16> to vector<256x1408xbf16>
    %get3A_653 = arith.constant 8 : index
    %get3A_654 = arith.constant 0 : index
    %get3A_655 = arith.constant 0 : index
    %get3A_656 = vector.load %arg2[%get3A_653, %get3A_654, %get3A_655] : memref<9x256x256xbf16, #tpu.memory_space<vmem>>, vector<1x256x256xbf16>
    %get3A_657 = vector.shape_cast %get3A_656 : vector<1x256x256xbf16> to vector<256x256xbf16>
    %dot_general3A_658 = arith.constant dense<0.000000e+00> : vector<256x1408xf32>
    %dot_general3A_659 = tpu.matmul %get3A_657, %get3A_652, %dot_general3A_658 {dimension_numbers = #tpu.dot_dimension_numbers<[1], [0], [0], [1], [0, 0, 1, 1], [], []>, transpose_lhs_hint = false} : vector<256x256xbf16>, vector<256x1408xbf16>, vector<256x1408xf32> -> vector<256x1408xf32>
    %add3A_660 = arith.addf %add3A_647, %dot_general3A_659 : vector<256x1408xf32>
    %add3A_661 = vector.broadcast %get3A_1 : vector<256x1xf32> to vector<256x1408xf32>
    %add3A_662 = arith.addf %add3A_660, %add3A_661 : vector<256x1408xf32>
    %max3A_663 = arith.constant 0.000000e+00 : f32
    %max3A_664 = vector.broadcast %max3A_663 : f32 to vector<256x1408xf32>
    %max3A_665 = arith.maximumf %add3A_662, %max3A_664 : vector<256x1408xf32>
    %convert_element_type3A_666 = arith.truncf %max3A_665 : vector<256x1408xf32> to vector<256x1408xbf16>
    %dot_general3A_667 = arith.constant dense<0.000000e+00> : vector<16x1408xf32>
    %dot_general3A_668 = tpu.matmul %get3A_7, %convert_element_type3A_666, %dot_general3A_667 {dimension_numbers = #tpu.dot_dimension_numbers<[1], [0], [0], [1], [0, 0, 1, 1], [], []>, transpose_lhs_hint = false} : vector<16x256xbf16>, vector<256x1408xbf16>, vector<16x1408xf32> -> vector<16x1408xf32>
    %add3A_669 = vector.broadcast %get3A_4 : vector<16x1xf32> to vector<16x1408xf32>
    %add3A_670 = arith.addf %dot_general3A_668, %add3A_669 : vector<16x1408xf32>
    %swap3A_671 = arith.constant 0 : index
    %swap3A_672 = arith.constant 0 : index
    %swap3A_673 = arith.constant 5632 : index
    %swap3A_674 = vector.load %arg6[%swap3A_671, %swap3A_672, %swap3A_673] : memref<1x16x15488xf32, #tpu.memory_space<vmem>>, vector<1x16x1408xf32>
    %swap3A_675 = vector.shape_cast %swap3A_674 : vector<1x16x1408xf32> to vector<16x1408xf32>
    %swap3A_676 = vector.shape_cast %add3A_670 : vector<16x1408xf32> to vector<1x16x1408xf32>
    tpu.vector_store %arg6[%swap3A_671, %swap3A_672, %swap3A_673], %swap3A_676 {strides = array<i32>} : memref<1x16x15488xf32, #tpu.memory_space<vmem>>, vector<1x16x1408xf32>,
    %broadcast_in_dim3A_677 = arith.constant 0.000000e+00 : f32
    %broadcast_in_dim3A_678 = vector.broadcast %broadcast_in_dim3A_677 : f32 to vector<256x1408xf32>
    %get3A_679 = arith.constant 0 : index
    %get3A_680 = arith.constant 0 : index
    %get3A_681 = arith.constant 7040 : index
    %get3A_682 = vector.load %arg1[%get3A_679, %get3A_680, %get3A_681] : memref<1x256x16000xbf16, #tpu.memory_space<vmem>>, vector<1x256x1408xbf16>
    %get3A_683 = vector.shape_cast %get3A_682 : vector<1x256x1408xbf16> to vector<256x1408xbf16>
    %get3A_684 = arith.constant 0 : index
    %get3A_685 = arith.constant 0 : index
    %get3A_686 = arith.constant 0 : index
    %get3A_687 = vector.load %arg2[%get3A_684, %get3A_685, %get3A_686] : memref<9x256x256xbf16, #tpu.memory_space<vmem>>, vector<1x256x256xbf16>
    %get3A_688 = vector.shape_cast %get3A_687 : vector<1x256x256xbf16> to vector<256x256xbf16>
    %dot_general3A_689 = arith.constant dense<0.000000e+00> : vector<256x1408xf32>
    %dot_general3A_690 = tpu.matmul %get3A_688, %get3A_683, %dot_general3A_689 {dimension_numbers = #tpu.dot_dimension_numbers<[1], [0], [0], [1], [0, 0, 1, 1], [], []>, transpose_lhs_hint = false} : vector<256x256xbf16>, vector<256x1408xbf16>, vector<256x1408xf32> -> vector<256x1408xf32>
    %add3A_691 = arith.addf %broadcast_in_dim3A_678, %dot_general3A_690 : vector<256x1408xf32>
    %get3A_692 = arith.constant 0 : index
    %get3A_693 = arith.constant 0 : index
    %get3A_694 = arith.constant 7041 : index
    %get3A_695 = vector.load %arg1[%get3A_692, %get3A_693, %get3A_694] : memref<1x256x16000xbf16, #tpu.memory_space<vmem>>, vector<1x256x1408xbf16>
    %get3A_696 = vector.shape_cast %get3A_695 : vector<1x256x1408xbf16> to vector<256x1408xbf16>
    %get3A_697 = arith.constant 1 : index
    %get3A_698 = arith.constant 0 : index
    %get3A_699 = arith.constant 0 : index
    %get3A_700 = vector.load %arg2[%get3A_697, %get3A_698, %get3A_699] : memref<9x256x256xbf16, #tpu.memory_space<vmem>>, vector<1x256x256xbf16>
    %get3A_701 = vector.shape_cast %get3A_700 : vector<1x256x256xbf16> to vector<256x256xbf16>
    %dot_general3A_702 = arith.constant dense<0.000000e+00> : vector<256x1408xf32>
    %dot_general3A_703 = tpu.matmul %get3A_701, %get3A_696, %dot_general3A_702 {dimension_numbers = #tpu.dot_dimension_numbers<[1], [0], [0], [1], [0, 0, 1, 1], [], []>, transpose_lhs_hint = false} : vector<256x256xbf16>, vector<256x1408xbf16>, vector<256x1408xf32> -> vector<256x1408xf32>
    %add3A_704 = arith.addf %add3A_691, %dot_general3A_703 : vector<256x1408xf32>
    %get3A_705 = arith.constant 0 : index
    %get3A_706 = arith.constant 0 : index
    %get3A_707 = arith.constant 7042 : index
    %get3A_708 = vector.load %arg1[%get3A_705, %get3A_706, %get3A_707] : memref<1x256x16000xbf16, #tpu.memory_space<vmem>>, vector<1x256x1408xbf16>
    %get3A_709 = vector.shape_cast %get3A_708 : vector<1x256x1408xbf16> to vector<256x1408xbf16>
    %get3A_710 = arith.constant 2 : index
    %get3A_711 = arith.constant 0 : index
    %get3A_712 = arith.constant 0 : index
    %get3A_713 = vector.load %arg2[%get3A_710, %get3A_711, %get3A_712] : memref<9x256x256xbf16, #tpu.memory_space<vmem>>, vector<1x256x256xbf16>
    %get3A_714 = vector.shape_cast %get3A_713 : vector<1x256x256xbf16> to vector<256x256xbf16>
    %dot_general3A_715 = arith.constant dense<0.000000e+00> : vector<256x1408xf32>
    %dot_general3A_716 = tpu.matmul %get3A_714, %get3A_709, %dot_general3A_715 {dimension_numbers = #tpu.dot_dimension_numbers<[1], [0], [0], [1], [0, 0, 1, 1], [], []>, transpose_lhs_hint = false} : vector<256x256xbf16>, vector<256x1408xbf16>, vector<256x1408xf32> -> vector<256x1408xf32>
    %add3A_717 = arith.addf %add3A_704, %dot_general3A_716 : vector<256x1408xf32>
    %get3A_718 = arith.constant 0 : index
    %get3A_719 = arith.constant 0 : index
    %get3A_720 = arith.constant 7194 : index
    %get3A_721 = vector.load %arg1[%get3A_718, %get3A_719, %get3A_720] : memref<1x256x16000xbf16, #tpu.memory_space<vmem>>, vector<1x256x1408xbf16>
    %get3A_722 = vector.shape_cast %get3A_721 : vector<1x256x1408xbf16> to vector<256x1408xbf16>
    %get3A_723 = arith.constant 3 : index
    %get3A_724 = arith.constant 0 : index
    %get3A_725 = arith.constant 0 : index
    %get3A_726 = vector.load %arg2[%get3A_723, %get3A_724, %get3A_725] : memref<9x256x256xbf16, #tpu.memory_space<vmem>>, vector<1x256x256xbf16>
    %get3A_727 = vector.shape_cast %get3A_726 : vector<1x256x256xbf16> to vector<256x256xbf16>
    %dot_general3A_728 = arith.constant dense<0.000000e+00> : vector<256x1408xf32>
    %dot_general3A_729 = tpu.matmul %get3A_727, %get3A_722, %dot_general3A_728 {dimension_numbers = #tpu.dot_dimension_numbers<[1], [0], [0], [1], [0, 0, 1, 1], [], []>, transpose_lhs_hint = false} : vector<256x256xbf16>, vector<256x1408xbf16>, vector<256x1408xf32> -> vector<256x1408xf32>
    %add3A_730 = arith.addf %add3A_717, %dot_general3A_729 : vector<256x1408xf32>
    %get3A_731 = arith.constant 0 : index
    %get3A_732 = arith.constant 0 : index
    %get3A_733 = arith.constant 7195 : index
    %get3A_734 = vector.load %arg1[%get3A_731, %get3A_732, %get3A_733] : memref<1x256x16000xbf16, #tpu.memory_space<vmem>>, vector<1x256x1408xbf16>
    %get3A_735 = vector.shape_cast %get3A_734 : vector<1x256x1408xbf16> to vector<256x1408xbf16>
    %get3A_736 = arith.constant 4 : index
    %get3A_737 = arith.constant 0 : index
    %get3A_738 = arith.constant 0 : index
    %get3A_739 = vector.load %arg2[%get3A_736, %get3A_737, %get3A_738] : memref<9x256x256xbf16, #tpu.memory_space<vmem>>, vector<1x256x256xbf16>
    %get3A_740 = vector.shape_cast %get3A_739 : vector<1x256x256xbf16> to vector<256x256xbf16>
    %dot_general3A_741 = arith.constant dense<0.000000e+00> : vector<256x1408xf32>
    %dot_general3A_742 = tpu.matmul %get3A_740, %get3A_735, %dot_general3A_741 {dimension_numbers = #tpu.dot_dimension_numbers<[1], [0], [0], [1], [0, 0, 1, 1], [], []>, transpose_lhs_hint = false} : vector<256x256xbf16>, vector<256x1408xbf16>, vector<256x1408xf32> -> vector<256x1408xf32>
    %add3A_743 = arith.addf %add3A_730, %dot_general3A_742 : vector<256x1408xf32>
    %get3A_744 = arith.constant 0 : index
    %get3A_745 = arith.constant 0 : index
    %get3A_746 = arith.constant 7196 : index
    %get3A_747 = vector.load %arg1[%get3A_744, %get3A_745, %get3A_746] : memref<1x256x16000xbf16, #tpu.memory_space<vmem>>, vector<1x256x1408xbf16>
    %get3A_748 = vector.shape_cast %get3A_747 : vector<1x256x1408xbf16> to vector<256x1408xbf16>
    %get3A_749 = arith.constant 5 : index
    %get3A_750 = arith.constant 0 : index
    %get3A_751 = arith.constant 0 : index
    %get3A_752 = vector.load %arg2[%get3A_749, %get3A_750, %get3A_751] : memref<9x256x256xbf16, #tpu.memory_space<vmem>>, vector<1x256x256xbf16>
    %get3A_753 = vector.shape_cast %get3A_752 : vector<1x256x256xbf16> to vector<256x256xbf16>
    %dot_general3A_754 = arith.constant dense<0.000000e+00> : vector<256x1408xf32>
    %dot_general3A_755 = tpu.matmul %get3A_753, %get3A_748, %dot_general3A_754 {dimension_numbers = #tpu.dot_dimension_numbers<[1], [0], [0], [1], [0, 0, 1, 1], [], []>, transpose_lhs_hint = false} : vector<256x256xbf16>, vector<256x1408xbf16>, vector<256x1408xf32> -> vector<256x1408xf32>
    %add3A_756 = arith.addf %add3A_743, %dot_general3A_755 : vector<256x1408xf32>
    %get3A_757 = arith.constant 0 : index
    %get3A_758 = arith.constant 0 : index
    %get3A_759 = arith.constant 7348 : index
    %get3A_760 = vector.load %arg1[%get3A_757, %get3A_758, %get3A_759] : memref<1x256x16000xbf16, #tpu.memory_space<vmem>>, vector<1x256x1408xbf16>
    %get3A_761 = vector.shape_cast %get3A_760 : vector<1x256x1408xbf16> to vector<256x1408xbf16>
    %get3A_762 = arith.constant 6 : index
    %get3A_763 = arith.constant 0 : index
    %get3A_764 = arith.constant 0 : index
    %get3A_765 = vector.load %arg2[%get3A_762, %get3A_763, %get3A_764] : memref<9x256x256xbf16, #tpu.memory_space<vmem>>, vector<1x256x256xbf16>
    %get3A_766 = vector.shape_cast %get3A_765 : vector<1x256x256xbf16> to vector<256x256xbf16>
    %dot_general3A_767 = arith.constant dense<0.000000e+00> : vector<256x1408xf32>
    %dot_general3A_768 = tpu.matmul %get3A_766, %get3A_761, %dot_general3A_767 {dimension_numbers = #tpu.dot_dimension_numbers<[1], [0], [0], [1], [0, 0, 1, 1], [], []>, transpose_lhs_hint = false} : vector<256x256xbf16>, vector<256x1408xbf16>, vector<256x1408xf32> -> vector<256x1408xf32>
    %add3A_769 = arith.addf %add3A_756, %dot_general3A_768 : vector<256x1408xf32>
    %get3A_770 = arith.constant 0 : index
    %get3A_771 = arith.constant 0 : index
    %get3A_772 = arith.constant 7349 : index
    %get3A_773 = vector.load %arg1[%get3A_770, %get3A_771, %get3A_772] : memref<1x256x16000xbf16, #tpu.memory_space<vmem>>, vector<1x256x1408xbf16>
    %get3A_774 = vector.shape_cast %get3A_773 : vector<1x256x1408xbf16> to vector<256x1408xbf16>
    %get3A_775 = arith.constant 7 : index
    %get3A_776 = arith.constant 0 : index
    %get3A_777 = arith.constant 0 : index
    %get3A_778 = vector.load %arg2[%get3A_775, %get3A_776, %get3A_777] : memref<9x256x256xbf16, #tpu.memory_space<vmem>>, vector<1x256x256xbf16>
    %get3A_779 = vector.shape_cast %get3A_778 : vector<1x256x256xbf16> to vector<256x256xbf16>
    %dot_general3A_780 = arith.constant dense<0.000000e+00> : vector<256x1408xf32>
    %dot_general3A_781 = tpu.matmul %get3A_779, %get3A_774, %dot_general3A_780 {dimension_numbers = #tpu.dot_dimension_numbers<[1], [0], [0], [1], [0, 0, 1, 1], [], []>, transpose_lhs_hint = false} : vector<256x256xbf16>, vector<256x1408xbf16>, vector<256x1408xf32> -> vector<256x1408xf32>
    %add3A_782 = arith.addf %add3A_769, %dot_general3A_781 : vector<256x1408xf32>
    %get3A_783 = arith.constant 0 : index
    %get3A_784 = arith.constant 0 : index
    %get3A_785 = arith.constant 7350 : index
    %get3A_786 = vector.load %arg1[%get3A_783, %get3A_784, %get3A_785] : memref<1x256x16000xbf16, #tpu.memory_space<vmem>>, vector<1x256x1408xbf16>
    %get3A_787 = vector.shape_cast %get3A_786 : vector<1x256x1408xbf16> to vector<256x1408xbf16>
    %get3A_788 = arith.constant 8 : index
    %get3A_789 = arith.constant 0 : index
    %get3A_790 = arith.constant 0 : index
    %get3A_791 = vector.load %arg2[%get3A_788, %get3A_789, %get3A_790] : memref<9x256x256xbf16, #tpu.memory_space<vmem>>, vector<1x256x256xbf16>
    %get3A_792 = vector.shape_cast %get3A_791 : vector<1x256x256xbf16> to vector<256x256xbf16>
    %dot_general3A_793 = arith.constant dense<0.000000e+00> : vector<256x1408xf32>
    %dot_general3A_794 = tpu.matmul %get3A_792, %get3A_787, %dot_general3A_793 {dimension_numbers = #tpu.dot_dimension_numbers<[1], [0], [0], [1], [0, 0, 1, 1], [], []>, transpose_lhs_hint = false} : vector<256x256xbf16>, vector<256x1408xbf16>, vector<256x1408xf32> -> vector<256x1408xf32>
    %add3A_795 = arith.addf %add3A_782, %dot_general3A_794 : vector<256x1408xf32>
    %add3A_796 = vector.broadcast %get3A_1 : vector<256x1xf32> to vector<256x1408xf32>
    %add3A_797 = arith.addf %add3A_795, %add3A_796 : vector<256x1408xf32>
    %max3A_798 = arith.constant 0.000000e+00 : f32
    %max3A_799 = vector.broadcast %max3A_798 : f32 to vector<256x1408xf32>
    %max3A_800 = arith.maximumf %add3A_797, %max3A_799 : vector<256x1408xf32>
    %convert_element_type3A_801 = arith.truncf %max3A_800 : vector<256x1408xf32> to vector<256x1408xbf16>
    %dot_general3A_802 = arith.constant dense<0.000000e+00> : vector<16x1408xf32>
    %dot_general3A_803 = tpu.matmul %get3A_7, %convert_element_type3A_801, %dot_general3A_802 {dimension_numbers = #tpu.dot_dimension_numbers<[1], [0], [0], [1], [0, 0, 1, 1], [], []>, transpose_lhs_hint = false} : vector<16x256xbf16>, vector<256x1408xbf16>, vector<16x1408xf32> -> vector<16x1408xf32>
    %add3A_804 = vector.broadcast %get3A_4 : vector<16x1xf32> to vector<16x1408xf32>
    %add3A_805 = arith.addf %dot_general3A_803, %add3A_804 : vector<16x1408xf32>
    %swap3A_806 = arith.constant 0 : index
    %swap3A_807 = arith.constant 0 : index
    %swap3A_808 = arith.constant 7040 : index
    %swap3A_809 = vector.load %arg6[%swap3A_806, %swap3A_807, %swap3A_808] : memref<1x16x15488xf32, #tpu.memory_space<vmem>>, vector<1x16x1408xf32>
    %swap3A_810 = vector.shape_cast %swap3A_809 : vector<1x16x1408xf32> to vector<16x1408xf32>
    %swap3A_811 = vector.shape_cast %add3A_805 : vector<16x1408xf32> to vector<1x16x1408xf32>
    tpu.vector_store %arg6[%swap3A_806, %swap3A_807, %swap3A_808], %swap3A_811 {strides = array<i32>} : memref<1x16x15488xf32, #tpu.memory_space<vmem>>, vector<1x16x1408xf32>,
    %broadcast_in_dim3A_812 = arith.constant 0.000000e+00 : f32
    %broadcast_in_dim3A_813 = vector.broadcast %broadcast_in_dim3A_812 : f32 to vector<256x1408xf32>
    %get3A_814 = arith.constant 0 : index
    %get3A_815 = arith.constant 0 : index
    %get3A_816 = arith.constant 8448 : index
    %get3A_817 = vector.load %arg1[%get3A_814, %get3A_815, %get3A_816] : memref<1x256x16000xbf16, #tpu.memory_space<vmem>>, vector<1x256x1408xbf16>
    %get3A_818 = vector.shape_cast %get3A_817 : vector<1x256x1408xbf16> to vector<256x1408xbf16>
    %get3A_819 = arith.constant 0 : index
    %get3A_820 = arith.constant 0 : index
    %get3A_821 = arith.constant 0 : index
    %get3A_822 = vector.load %arg2[%get3A_819, %get3A_820, %get3A_821] : memref<9x256x256xbf16, #tpu.memory_space<vmem>>, vector<1x256x256xbf16>
    %get3A_823 = vector.shape_cast %get3A_822 : vector<1x256x256xbf16> to vector<256x256xbf16>
    %dot_general3A_824 = arith.constant dense<0.000000e+00> : vector<256x1408xf32>
    %dot_general3A_825 = tpu.matmul %get3A_823, %get3A_818, %dot_general3A_824 {dimension_numbers = #tpu.dot_dimension_numbers<[1], [0], [0], [1], [0, 0, 1, 1], [], []>, transpose_lhs_hint = false} : vector<256x256xbf16>, vector<256x1408xbf16>, vector<256x1408xf32> -> vector<256x1408xf32>
    %add3A_826 = arith.addf %broadcast_in_dim3A_813, %dot_general3A_825 : vector<256x1408xf32>
    %get3A_827 = arith.constant 0 : index
    %get3A_828 = arith.constant 0 : index
    %get3A_829 = arith.constant 8449 : index
    %get3A_830 = vector.load %arg1[%get3A_827, %get3A_828, %get3A_829] : memref<1x256x16000xbf16, #tpu.memory_space<vmem>>, vector<1x256x1408xbf16>
    %get3A_831 = vector.shape_cast %get3A_830 : vector<1x256x1408xbf16> to vector<256x1408xbf16>
    %get3A_832 = arith.constant 1 : index
    %get3A_833 = arith.constant 0 : index
    %get3A_834 = arith.constant 0 : index
    %get3A_835 = vector.load %arg2[%get3A_832, %get3A_833, %get3A_834] : memref<9x256x256xbf16, #tpu.memory_space<vmem>>, vector<1x256x256xbf16>
    %get3A_836 = vector.shape_cast %get3A_835 : vector<1x256x256xbf16> to vector<256x256xbf16>
    %dot_general3A_837 = arith.constant dense<0.000000e+00> : vector<256x1408xf32>
    %dot_general3A_838 = tpu.matmul %get3A_836, %get3A_831, %dot_general3A_837 {dimension_numbers = #tpu.dot_dimension_numbers<[1], [0], [0], [1], [0, 0, 1, 1], [], []>, transpose_lhs_hint = false} : vector<256x256xbf16>, vector<256x1408xbf16>, vector<256x1408xf32> -> vector<256x1408xf32>
    %add3A_839 = arith.addf %add3A_826, %dot_general3A_838 : vector<256x1408xf32>
    %get3A_840 = arith.constant 0 : index
    %get3A_841 = arith.constant 0 : index
    %get3A_842 = arith.constant 8450 : index
    %get3A_843 = vector.load %arg1[%get3A_840, %get3A_841, %get3A_842] : memref<1x256x16000xbf16, #tpu.memory_space<vmem>>, vector<1x256x1408xbf16>
    %get3A_844 = vector.shape_cast %get3A_843 : vector<1x256x1408xbf16> to vector<256x1408xbf16>
    %get3A_845 = arith.constant 2 : index
    %get3A_846 = arith.constant 0 : index
    %get3A_847 = arith.constant 0 : index
    %get3A_848 = vector.load %arg2[%get3A_845, %get3A_846, %get3A_847] : memref<9x256x256xbf16, #tpu.memory_space<vmem>>, vector<1x256x256xbf16>
    %get3A_849 = vector.shape_cast %get3A_848 : vector<1x256x256xbf16> to vector<256x256xbf16>
    %dot_general3A_850 = arith.constant dense<0.000000e+00> : vector<256x1408xf32>
    %dot_general3A_851 = tpu.matmul %get3A_849, %get3A_844, %dot_general3A_850 {dimension_numbers = #tpu.dot_dimension_numbers<[1], [0], [0], [1], [0, 0, 1, 1], [], []>, transpose_lhs_hint = false} : vector<256x256xbf16>, vector<256x1408xbf16>, vector<256x1408xf32> -> vector<256x1408xf32>
    %add3A_852 = arith.addf %add3A_839, %dot_general3A_851 : vector<256x1408xf32>
    %get3A_853 = arith.constant 0 : index
    %get3A_854 = arith.constant 0 : index
    %get3A_855 = arith.constant 8602 : index
    %get3A_856 = vector.load %arg1[%get3A_853, %get3A_854, %get3A_855] : memref<1x256x16000xbf16, #tpu.memory_space<vmem>>, vector<1x256x1408xbf16>
    %get3A_857 = vector.shape_cast %get3A_856 : vector<1x256x1408xbf16> to vector<256x1408xbf16>
    %get3A_858 = arith.constant 3 : index
    %get3A_859 = arith.constant 0 : index
    %get3A_860 = arith.constant 0 : index
    %get3A_861 = vector.load %arg2[%get3A_858, %get3A_859, %get3A_860] : memref<9x256x256xbf16, #tpu.memory_space<vmem>>, vector<1x256x256xbf16>
    %get3A_862 = vector.shape_cast %get3A_861 : vector<1x256x256xbf16> to vector<256x256xbf16>
    %dot_general3A_863 = arith.constant dense<0.000000e+00> : vector<256x1408xf32>
    %dot_general3A_864 = tpu.matmul %get3A_862, %get3A_857, %dot_general3A_863 {dimension_numbers = #tpu.dot_dimension_numbers<[1], [0], [0], [1], [0, 0, 1, 1], [], []>, transpose_lhs_hint = false} : vector<256x256xbf16>, vector<256x1408xbf16>, vector<256x1408xf32> -> vector<256x1408xf32>
    %add3A_865 = arith.addf %add3A_852, %dot_general3A_864 : vector<256x1408xf32>
    %get3A_866 = arith.constant 0 : index
    %get3A_867 = arith.constant 0 : index
    %get3A_868 = arith.constant 8603 : index
    %get3A_869 = vector.load %arg1[%get3A_866, %get3A_867, %get3A_868] : memref<1x256x16000xbf16, #tpu.memory_space<vmem>>, vector<1x256x1408xbf16>
    %get3A_870 = vector.shape_cast %get3A_869 : vector<1x256x1408xbf16> to vector<256x1408xbf16>
    %get3A_871 = arith.constant 4 : index
    %get3A_872 = arith.constant 0 : index
    %get3A_873 = arith.constant 0 : index
    %get3A_874 = vector.load %arg2[%get3A_871, %get3A_872, %get3A_873] : memref<9x256x256xbf16, #tpu.memory_space<vmem>>, vector<1x256x256xbf16>
    %get3A_875 = vector.shape_cast %get3A_874 : vector<1x256x256xbf16> to vector<256x256xbf16>
    %dot_general3A_876 = arith.constant dense<0.000000e+00> : vector<256x1408xf32>
    %dot_general3A_877 = tpu.matmul %get3A_875, %get3A_870, %dot_general3A_876 {dimension_numbers = #tpu.dot_dimension_numbers<[1], [0], [0], [1], [0, 0, 1, 1], [], []>, transpose_lhs_hint = false} : vector<256x256xbf16>, vector<256x1408xbf16>, vector<256x1408xf32> -> vector<256x1408xf32>
    %add3A_878 = arith.addf %add3A_865, %dot_general3A_877 : vector<256x1408xf32>
    %get3A_879 = arith.constant 0 : index
    %get3A_880 = arith.constant 0 : index
    %get3A_881 = arith.constant 8604 : index
    %get3A_882 = vector.load %arg1[%get3A_879, %get3A_880, %get3A_881] : memref<1x256x16000xbf16, #tpu.memory_space<vmem>>, vector<1x256x1408xbf16>
    %get3A_883 = vector.shape_cast %get3A_882 : vector<1x256x1408xbf16> to vector<256x1408xbf16>
    %get3A_884 = arith.constant 5 : index
    %get3A_885 = arith.constant 0 : index
    %get3A_886 = arith.constant 0 : index
    %get3A_887 = vector.load %arg2[%get3A_884, %get3A_885, %get3A_886] : memref<9x256x256xbf16, #tpu.memory_space<vmem>>, vector<1x256x256xbf16>
    %get3A_888 = vector.shape_cast %get3A_887 : vector<1x256x256xbf16> to vector<256x256xbf16>
    %dot_general3A_889 = arith.constant dense<0.000000e+00> : vector<256x1408xf32>
    %dot_general3A_890 = tpu.matmul %get3A_888, %get3A_883, %dot_general3A_889 {dimension_numbers = #tpu.dot_dimension_numbers<[1], [0], [0], [1], [0, 0, 1, 1], [], []>, transpose_lhs_hint = false} : vector<256x256xbf16>, vector<256x1408xbf16>, vector<256x1408xf32> -> vector<256x1408xf32>
    %add3A_891 = arith.addf %add3A_878, %dot_general3A_890 : vector<256x1408xf32>
    %get3A_892 = arith.constant 0 : index
    %get3A_893 = arith.constant 0 : index
    %get3A_894 = arith.constant 8756 : index
    %get3A_895 = vector.load %arg1[%get3A_892, %get3A_893, %get3A_894] : memref<1x256x16000xbf16, #tpu.memory_space<vmem>>, vector<1x256x1408xbf16>
    %get3A_896 = vector.shape_cast %get3A_895 : vector<1x256x1408xbf16> to vector<256x1408xbf16>
    %get3A_897 = arith.constant 6 : index
    %get3A_898 = arith.constant 0 : index
    %get3A_899 = arith.constant 0 : index
    %get3A_900 = vector.load %arg2[%get3A_897, %get3A_898, %get3A_899] : memref<9x256x256xbf16, #tpu.memory_space<vmem>>, vector<1x256x256xbf16>
    %get3A_901 = vector.shape_cast %get3A_900 : vector<1x256x256xbf16> to vector<256x256xbf16>
    %dot_general3A_902 = arith.constant dense<0.000000e+00> : vector<256x1408xf32>
    %dot_general3A_903 = tpu.matmul %get3A_901, %get3A_896, %dot_general3A_902 {dimension_numbers = #tpu.dot_dimension_numbers<[1], [0], [0], [1], [0, 0, 1, 1], [], []>, transpose_lhs_hint = false} : vector<256x256xbf16>, vector<256x1408xbf16>, vector<256x1408xf32> -> vector<256x1408xf32>
    %add3A_904 = arith.addf %add3A_891, %dot_general3A_903 : vector<256x1408xf32>
    %get3A_905 = arith.constant 0 : index
    %get3A_906 = arith.constant 0 : index
    %get3A_907 = arith.constant 8757 : index
    %get3A_908 = vector.load %arg1[%get3A_905, %get3A_906, %get3A_907] : memref<1x256x16000xbf16, #tpu.memory_space<vmem>>, vector<1x256x1408xbf16>
    %get3A_909 = vector.shape_cast %get3A_908 : vector<1x256x1408xbf16> to vector<256x1408xbf16>
    %get3A_910 = arith.constant 7 : index
    %get3A_911 = arith.constant 0 : index
    %get3A_912 = arith.constant 0 : index
    %get3A_913 = vector.load %arg2[%get3A_910, %get3A_911, %get3A_912] : memref<9x256x256xbf16, #tpu.memory_space<vmem>>, vector<1x256x256xbf16>
    %get3A_914 = vector.shape_cast %get3A_913 : vector<1x256x256xbf16> to vector<256x256xbf16>
    %dot_general3A_915 = arith.constant dense<0.000000e+00> : vector<256x1408xf32>
    %dot_general3A_916 = tpu.matmul %get3A_914, %get3A_909, %dot_general3A_915 {dimension_numbers = #tpu.dot_dimension_numbers<[1], [0], [0], [1], [0, 0, 1, 1], [], []>, transpose_lhs_hint = false} : vector<256x256xbf16>, vector<256x1408xbf16>, vector<256x1408xf32> -> vector<256x1408xf32>
    %add3A_917 = arith.addf %add3A_904, %dot_general3A_916 : vector<256x1408xf32>
    %get3A_918 = arith.constant 0 : index
    %get3A_919 = arith.constant 0 : index
    %get3A_920 = arith.constant 8758 : index
    %get3A_921 = vector.load %arg1[%get3A_918, %get3A_919, %get3A_920] : memref<1x256x16000xbf16, #tpu.memory_space<vmem>>, vector<1x256x1408xbf16>
    %get3A_922 = vector.shape_cast %get3A_921 : vector<1x256x1408xbf16> to vector<256x1408xbf16>
    %get3A_923 = arith.constant 8 : index
    %get3A_924 = arith.constant 0 : index
    %get3A_925 = arith.constant 0 : index
    %get3A_926 = vector.load %arg2[%get3A_923, %get3A_924, %get3A_925] : memref<9x256x256xbf16, #tpu.memory_space<vmem>>, vector<1x256x256xbf16>
    %get3A_927 = vector.shape_cast %get3A_926 : vector<1x256x256xbf16> to vector<256x256xbf16>
    %dot_general3A_928 = arith.constant dense<0.000000e+00> : vector<256x1408xf32>
    %dot_general3A_929 = tpu.matmul %get3A_927, %get3A_922, %dot_general3A_928 {dimension_numbers = #tpu.dot_dimension_numbers<[1], [0], [0], [1], [0, 0, 1, 1], [], []>, transpose_lhs_hint = false} : vector<256x256xbf16>, vector<256x1408xbf16>, vector<256x1408xf32> -> vector<256x1408xf32>
    %add3A_930 = arith.addf %add3A_917, %dot_general3A_929 : vector<256x1408xf32>
    %add3A_931 = vector.broadcast %get3A_1 : vector<256x1xf32> to vector<256x1408xf32>
    %add3A_932 = arith.addf %add3A_930, %add3A_931 : vector<256x1408xf32>
    %max3A_933 = arith.constant 0.000000e+00 : f32
    %max3A_934 = vector.broadcast %max3A_933 : f32 to vector<256x1408xf32>
    %max3A_935 = arith.maximumf %add3A_932, %max3A_934 : vector<256x1408xf32>
    %convert_element_type3A_936 = arith.truncf %max3A_935 : vector<256x1408xf32> to vector<256x1408xbf16>
    %dot_general3A_937 = arith.constant dense<0.000000e+00> : vector<16x1408xf32>
    %dot_general3A_938 = tpu.matmul %get3A_7, %convert_element_type3A_936, %dot_general3A_937 {dimension_numbers = #tpu.dot_dimension_numbers<[1], [0], [0], [1], [0, 0, 1, 1], [], []>, transpose_lhs_hint = false} : vector<16x256xbf16>, vector<256x1408xbf16>, vector<16x1408xf32> -> vector<16x1408xf32>
    %add3A_939 = vector.broadcast %get3A_4 : vector<16x1xf32> to vector<16x1408xf32>
    %add3A_940 = arith.addf %dot_general3A_938, %add3A_939 : vector<16x1408xf32>
    %swap3A_941 = arith.constant 0 : index
    %swap3A_942 = arith.constant 0 : index
    %swap3A_943 = arith.constant 8448 : index
    %swap3A_944 = vector.load %arg6[%swap3A_941, %swap3A_942, %swap3A_943] : memref<1x16x15488xf32, #tpu.memory_space<vmem>>, vector<1x16x1408xf32>
    %swap3A_945 = vector.shape_cast %swap3A_944 : vector<1x16x1408xf32> to vector<16x1408xf32>
    %swap3A_946 = vector.shape_cast %add3A_940 : vector<16x1408xf32> to vector<1x16x1408xf32>
    tpu.vector_store %arg6[%swap3A_941, %swap3A_942, %swap3A_943], %swap3A_946 {strides = array<i32>} : memref<1x16x15488xf32, #tpu.memory_space<vmem>>, vector<1x16x1408xf32>,
    %broadcast_in_dim3A_947 = arith.constant 0.000000e+00 : f32
    %broadcast_in_dim3A_948 = vector.broadcast %broadcast_in_dim3A_947 : f32 to vector<256x1408xf32>
    %get3A_949 = arith.constant 0 : index
    %get3A_950 = arith.constant 0 : index
    %get3A_951 = arith.constant 9856 : index
    %get3A_952 = vector.load %arg1[%get3A_949, %get3A_950, %get3A_951] : memref<1x256x16000xbf16, #tpu.memory_space<vmem>>, vector<1x256x1408xbf16>
    %get3A_953 = vector.shape_cast %get3A_952 : vector<1x256x1408xbf16> to vector<256x1408xbf16>
    %get3A_954 = arith.constant 0 : index
    %get3A_955 = arith.constant 0 : index
    %get3A_956 = arith.constant 0 : index
    %get3A_957 = vector.load %arg2[%get3A_954, %get3A_955, %get3A_956] : memref<9x256x256xbf16, #tpu.memory_space<vmem>>, vector<1x256x256xbf16>
    %get3A_958 = vector.shape_cast %get3A_957 : vector<1x256x256xbf16> to vector<256x256xbf16>
    %dot_general3A_959 = arith.constant dense<0.000000e+00> : vector<256x1408xf32>
    %dot_general3A_960 = tpu.matmul %get3A_958, %get3A_953, %dot_general3A_959 {dimension_numbers = #tpu.dot_dimension_numbers<[1], [0], [0], [1], [0, 0, 1, 1], [], []>, transpose_lhs_hint = false} : vector<256x256xbf16>, vector<256x1408xbf16>, vector<256x1408xf32> -> vector<256x1408xf32>
    %add3A_961 = arith.addf %broadcast_in_dim3A_948, %dot_general3A_960 : vector<256x1408xf32>
    %get3A_962 = arith.constant 0 : index
    %get3A_963 = arith.constant 0 : index
    %get3A_964 = arith.constant 9857 : index
    %get3A_965 = vector.load %arg1[%get3A_962, %get3A_963, %get3A_964] : memref<1x256x16000xbf16, #tpu.memory_space<vmem>>, vector<1x256x1408xbf16>
    %get3A_966 = vector.shape_cast %get3A_965 : vector<1x256x1408xbf16> to vector<256x1408xbf16>
    %get3A_967 = arith.constant 1 : index
    %get3A_968 = arith.constant 0 : index
    %get3A_969 = arith.constant 0 : index
    %get3A_970 = vector.load %arg2[%get3A_967, %get3A_968, %get3A_969] : memref<9x256x256xbf16, #tpu.memory_space<vmem>>, vector<1x256x256xbf16>
    %get3A_971 = vector.shape_cast %get3A_970 : vector<1x256x256xbf16> to vector<256x256xbf16>
    %dot_general3A_972 = arith.constant dense<0.000000e+00> : vector<256x1408xf32>
    %dot_general3A_973 = tpu.matmul %get3A_971, %get3A_966, %dot_general3A_972 {dimension_numbers = #tpu.dot_dimension_numbers<[1], [0], [0], [1], [0, 0, 1, 1], [], []>, transpose_lhs_hint = false} : vector<256x256xbf16>, vector<256x1408xbf16>, vector<256x1408xf32> -> vector<256x1408xf32>
    %add3A_974 = arith.addf %add3A_961, %dot_general3A_973 : vector<256x1408xf32>
    %get3A_975 = arith.constant 0 : index
    %get3A_976 = arith.constant 0 : index
    %get3A_977 = arith.constant 9858 : index
    %get3A_978 = vector.load %arg1[%get3A_975, %get3A_976, %get3A_977] : memref<1x256x16000xbf16, #tpu.memory_space<vmem>>, vector<1x256x1408xbf16>
    %get3A_979 = vector.shape_cast %get3A_978 : vector<1x256x1408xbf16> to vector<256x1408xbf16>
    %get3A_980 = arith.constant 2 : index
    %get3A_981 = arith.constant 0 : index
    %get3A_982 = arith.constant 0 : index
    %get3A_983 = vector.load %arg2[%get3A_980, %get3A_981, %get3A_982] : memref<9x256x256xbf16, #tpu.memory_space<vmem>>, vector<1x256x256xbf16>
    %get3A_984 = vector.shape_cast %get3A_983 : vector<1x256x256xbf16> to vector<256x256xbf16>
    %dot_general3A_985 = arith.constant dense<0.000000e+00> : vector<256x1408xf32>
    %dot_general3A_986 = tpu.matmul %get3A_984, %get3A_979, %dot_general3A_985 {dimension_numbers = #tpu.dot_dimension_numbers<[1], [0], [0], [1], [0, 0, 1, 1], [], []>, transpose_lhs_hint = false} : vector<256x256xbf16>, vector<256x1408xbf16>, vector<256x1408xf32> -> vector<256x1408xf32>
    %add3A_987 = arith.addf %add3A_974, %dot_general3A_986 : vector<256x1408xf32>
    %get3A_988 = arith.constant 0 : index
    %get3A_989 = arith.constant 0 : index
    %get3A_990 = arith.constant 10010 : index
    %get3A_991 = vector.load %arg1[%get3A_988, %get3A_989, %get3A_990] : memref<1x256x16000xbf16, #tpu.memory_space<vmem>>, vector<1x256x1408xbf16>
    %get3A_992 = vector.shape_cast %get3A_991 : vector<1x256x1408xbf16> to vector<256x1408xbf16>
    %get3A_993 = arith.constant 3 : index
    %get3A_994 = arith.constant 0 : index
    %get3A_995 = arith.constant 0 : index
    %get3A_996 = vector.load %arg2[%get3A_993, %get3A_994, %get3A_995] : memref<9x256x256xbf16, #tpu.memory_space<vmem>>, vector<1x256x256xbf16>
    %get3A_997 = vector.shape_cast %get3A_996 : vector<1x256x256xbf16> to vector<256x256xbf16>
    %dot_general3A_998 = arith.constant dense<0.000000e+00> : vector<256x1408xf32>
    %dot_general3A_999 = tpu.matmul %get3A_997, %get3A_992, %dot_general3A_998 {dimension_numbers = #tpu.dot_dimension_numbers<[1], [0], [0], [1], [0, 0, 1, 1], [], []>, transpose_lhs_hint = false} : vector<256x256xbf16>, vector<256x1408xbf16>, vector<256x1408xf32> -> vector<256x1408xf32>
    %add3A_1000 = arith.addf %add3A_987, %dot_general3A_999 : vector<256x1408xf32>
    %get3A_1001 = arith.constant 0 : index
    %get3A_1002 = arith.constant 0 : index
    %get3A_1003 = arith.constant 10011 : index
    %get3A_1004 = vector.load %arg1[%get3A_1001, %get3A_1002, %get3A_1003] : memref<1x256x16000xbf16, #tpu.memory_space<vmem>>, vector<1x256x1408xbf16>
    %get3A_1005 = vector.shape_cast %get3A_1004 : vector<1x256x1408xbf16> to vector<256x1408xbf16>
    %get3A_1006 = arith.constant 4 : index
    %get3A_1007 = arith.constant 0 : index
    %get3A_1008 = arith.constant 0 : index
    %get3A_1009 = vector.load %arg2[%get3A_1006, %get3A_1007, %get3A_1008] : memref<9x256x256xbf16, #tpu.memory_space<vmem>>, vector<1x256x256xbf16>
    %get3A_1010 = vector.shape_cast %get3A_1009 : vector<1x256x256xbf16> to vector<256x256xbf16>
    %dot_general3A_1011 = arith.constant dense<0.000000e+00> : vector<256x1408xf32>
    %dot_general3A_1012 = tpu.matmul %get3A_1010, %get3A_1005, %dot_general3A_1011 {dimension_numbers = #tpu.dot_dimension_numbers<[1], [0], [0], [1], [0, 0, 1, 1], [], []>, transpose_lhs_hint = false} : vector<256x256xbf16>, vector<256x1408xbf16>, vector<256x1408xf32> -> vector<256x1408xf32>
    %add3A_1013 = arith.addf %add3A_1000, %dot_general3A_1012 : vector<256x1408xf32>
    %get3A_1014 = arith.constant 0 : index
    %get3A_1015 = arith.constant 0 : index
    %get3A_1016 = arith.constant 10012 : index
    %get3A_1017 = vector.load %arg1[%get3A_1014, %get3A_1015, %get3A_1016] : memref<1x256x16000xbf16, #tpu.memory_space<vmem>>, vector<1x256x1408xbf16>
    %get3A_1018 = vector.shape_cast %get3A_1017 : vector<1x256x1408xbf16> to vector<256x1408xbf16>
    %get3A_1019 = arith.constant 5 : index
    %get3A_1020 = arith.constant 0 : index
    %get3A_1021 = arith.constant 0 : index
    %get3A_1022 = vector.load %arg2[%get3A_1019, %get3A_1020, %get3A_1021] : memref<9x256x256xbf16, #tpu.memory_space<vmem>>, vector<1x256x256xbf16>
    %get3A_1023 = vector.shape_cast %get3A_1022 : vector<1x256x256xbf16> to vector<256x256xbf16>
    %dot_general3A_1024 = arith.constant dense<0.000000e+00> : vector<256x1408xf32>
    %dot_general3A_1025 = tpu.matmul %get3A_1023, %get3A_1018, %dot_general3A_1024 {dimension_numbers = #tpu.dot_dimension_numbers<[1], [0], [0], [1], [0, 0, 1, 1], [], []>, transpose_lhs_hint = false} : vector<256x256xbf16>, vector<256x1408xbf16>, vector<256x1408xf32> -> vector<256x1408xf32>
    %add3A_1026 = arith.addf %add3A_1013, %dot_general3A_1025 : vector<256x1408xf32>
    %get3A_1027 = arith.constant 0 : index
    %get3A_1028 = arith.constant 0 : index
    %get3A_1029 = arith.constant 10164 : index
    %get3A_1030 = vector.load %arg1[%get3A_1027, %get3A_1028, %get3A_1029] : memref<1x256x16000xbf16, #tpu.memory_space<vmem>>, vector<1x256x1408xbf16>
    %get3A_1031 = vector.shape_cast %get3A_1030 : vector<1x256x1408xbf16> to vector<256x1408xbf16>
    %get3A_1032 = arith.constant 6 : index
    %get3A_1033 = arith.constant 0 : index
    %get3A_1034 = arith.constant 0 : index
    %get3A_1035 = vector.load %arg2[%get3A_1032, %get3A_1033, %get3A_1034] : memref<9x256x256xbf16, #tpu.memory_space<vmem>>, vector<1x256x256xbf16>
    %get3A_1036 = vector.shape_cast %get3A_1035 : vector<1x256x256xbf16> to vector<256x256xbf16>
    %dot_general3A_1037 = arith.constant dense<0.000000e+00> : vector<256x1408xf32>
    %dot_general3A_1038 = tpu.matmul %get3A_1036, %get3A_1031, %dot_general3A_1037 {dimension_numbers = #tpu.dot_dimension_numbers<[1], [0], [0], [1], [0, 0, 1, 1], [], []>, transpose_lhs_hint = false} : vector<256x256xbf16>, vector<256x1408xbf16>, vector<256x1408xf32> -> vector<256x1408xf32>
    %add3A_1039 = arith.addf %add3A_1026, %dot_general3A_1038 : vector<256x1408xf32>
    %get3A_1040 = arith.constant 0 : index
    %get3A_1041 = arith.constant 0 : index
    %get3A_1042 = arith.constant 10165 : index
    %get3A_1043 = vector.load %arg1[%get3A_1040, %get3A_1041, %get3A_1042] : memref<1x256x16000xbf16, #tpu.memory_space<vmem>>, vector<1x256x1408xbf16>
    %get3A_1044 = vector.shape_cast %get3A_1043 : vector<1x256x1408xbf16> to vector<256x1408xbf16>
    %get3A_1045 = arith.constant 7 : index
    %get3A_1046 = arith.constant 0 : index
    %get3A_1047 = arith.constant 0 : index
    %get3A_1048 = vector.load %arg2[%get3A_1045, %get3A_1046, %get3A_1047] : memref<9x256x256xbf16, #tpu.memory_space<vmem>>, vector<1x256x256xbf16>
    %get3A_1049 = vector.shape_cast %get3A_1048 : vector<1x256x256xbf16> to vector<256x256xbf16>
    %dot_general3A_1050 = arith.constant dense<0.000000e+00> : vector<256x1408xf32>
    %dot_general3A_1051 = tpu.matmul %get3A_1049, %get3A_1044, %dot_general3A_1050 {dimension_numbers = #tpu.dot_dimension_numbers<[1], [0], [0], [1], [0, 0, 1, 1], [], []>, transpose_lhs_hint = false} : vector<256x256xbf16>, vector<256x1408xbf16>, vector<256x1408xf32> -> vector<256x1408xf32>
    %add3A_1052 = arith.addf %add3A_1039, %dot_general3A_1051 : vector<256x1408xf32>
    %get3A_1053 = arith.constant 0 : index
    %get3A_1054 = arith.constant 0 : index
    %get3A_1055 = arith.constant 10166 : index
    %get3A_1056 = vector.load %arg1[%get3A_1053, %get3A_1054, %get3A_1055] : memref<1x256x16000xbf16, #tpu.memory_space<vmem>>, vector<1x256x1408xbf16>
    %get3A_1057 = vector.shape_cast %get3A_1056 : vector<1x256x1408xbf16> to vector<256x1408xbf16>
    %get3A_1058 = arith.constant 8 : index
    %get3A_1059 = arith.constant 0 : index
    %get3A_1060 = arith.constant 0 : index
    %get3A_1061 = vector.load %arg2[%get3A_1058, %get3A_1059, %get3A_1060] : memref<9x256x256xbf16, #tpu.memory_space<vmem>>, vector<1x256x256xbf16>
    %get3A_1062 = vector.shape_cast %get3A_1061 : vector<1x256x256xbf16> to vector<256x256xbf16>
    %dot_general3A_1063 = arith.constant dense<0.000000e+00> : vector<256x1408xf32>
    %dot_general3A_1064 = tpu.matmul %get3A_1062, %get3A_1057, %dot_general3A_1063 {dimension_numbers = #tpu.dot_dimension_numbers<[1], [0], [0], [1], [0, 0, 1, 1], [], []>, transpose_lhs_hint = false} : vector<256x256xbf16>, vector<256x1408xbf16>, vector<256x1408xf32> -> vector<256x1408xf32>
    %add3A_1065 = arith.addf %add3A_1052, %dot_general3A_1064 : vector<256x1408xf32>
    %add3A_1066 = vector.broadcast %get3A_1 : vector<256x1xf32> to vector<256x1408xf32>
    %add3A_1067 = arith.addf %add3A_1065, %add3A_1066 : vector<256x1408xf32>
    %max3A_1068 = arith.constant 0.000000e+00 : f32
    %max3A_1069 = vector.broadcast %max3A_1068 : f32 to vector<256x1408xf32>
    %max3A_1070 = arith.maximumf %add3A_1067, %max3A_1069 : vector<256x1408xf32>
    %convert_element_type3A_1071 = arith.truncf %max3A_1070 : vector<256x1408xf32> to vector<256x1408xbf16>
    %dot_general3A_1072 = arith.constant dense<0.000000e+00> : vector<16x1408xf32>
    %dot_general3A_1073 = tpu.matmul %get3A_7, %convert_element_type3A_1071, %dot_general3A_1072 {dimension_numbers = #tpu.dot_dimension_numbers<[1], [0], [0], [1], [0, 0, 1, 1], [], []>, transpose_lhs_hint = false} : vector<16x256xbf16>, vector<256x1408xbf16>, vector<16x1408xf32> -> vector<16x1408xf32>
    %add3A_1074 = vector.broadcast %get3A_4 : vector<16x1xf32> to vector<16x1408xf32>
    %add3A_1075 = arith.addf %dot_general3A_1073, %add3A_1074 : vector<16x1408xf32>
    %swap3A_1076 = arith.constant 0 : index
    %swap3A_1077 = arith.constant 0 : index
    %swap3A_1078 = arith.constant 9856 : index
    %swap3A_1079 = vector.load %arg6[%swap3A_1076, %swap3A_1077, %swap3A_1078] : memref<1x16x15488xf32, #tpu.memory_space<vmem>>, vector<1x16x1408xf32>
    %swap3A_1080 = vector.shape_cast %swap3A_1079 : vector<1x16x1408xf32> to vector<16x1408xf32>
    %swap3A_1081 = vector.shape_cast %add3A_1075 : vector<16x1408xf32> to vector<1x16x1408xf32>
    tpu.vector_store %arg6[%swap3A_1076, %swap3A_1077, %swap3A_1078], %swap3A_1081 {strides = array<i32>} : memref<1x16x15488xf32, #tpu.memory_space<vmem>>, vector<1x16x1408xf32>,
    %broadcast_in_dim3A_1082 = arith.constant 0.000000e+00 : f32
    %broadcast_in_dim3A_1083 = vector.broadcast %broadcast_in_dim3A_1082 : f32 to vector<256x1408xf32>
    %get3A_1084 = arith.constant 0 : index
    %get3A_1085 = arith.constant 0 : index
    %get3A_1086 = arith.constant 11264 : index
    %get3A_1087 = vector.load %arg1[%get3A_1084, %get3A_1085, %get3A_1086] : memref<1x256x16000xbf16, #tpu.memory_space<vmem>>, vector<1x256x1408xbf16>
    %get3A_1088 = vector.shape_cast %get3A_1087 : vector<1x256x1408xbf16> to vector<256x1408xbf16>
    %get3A_1089 = arith.constant 0 : index
    %get3A_1090 = arith.constant 0 : index
    %get3A_1091 = arith.constant 0 : index
    %get3A_1092 = vector.load %arg2[%get3A_1089, %get3A_1090, %get3A_1091] : memref<9x256x256xbf16, #tpu.memory_space<vmem>>, vector<1x256x256xbf16>
    %get3A_1093 = vector.shape_cast %get3A_1092 : vector<1x256x256xbf16> to vector<256x256xbf16>
    %dot_general3A_1094 = arith.constant dense<0.000000e+00> : vector<256x1408xf32>
    %dot_general3A_1095 = tpu.matmul %get3A_1093, %get3A_1088, %dot_general3A_1094 {dimension_numbers = #tpu.dot_dimension_numbers<[1], [0], [0], [1], [0, 0, 1, 1], [], []>, transpose_lhs_hint = false} : vector<256x256xbf16>, vector<256x1408xbf16>, vector<256x1408xf32> -> vector<256x1408xf32>
    %add3A_1096 = arith.addf %broadcast_in_dim3A_1083, %dot_general3A_1095 : vector<256x1408xf32>
    %get3A_1097 = arith.constant 0 : index
    %get3A_1098 = arith.constant 0 : index
    %get3A_1099 = arith.constant 11265 : index
    %get3A_1100 = vector.load %arg1[%get3A_1097, %get3A_1098, %get3A_1099] : memref<1x256x16000xbf16, #tpu.memory_space<vmem>>, vector<1x256x1408xbf16>
    %get3A_1101 = vector.shape_cast %get3A_1100 : vector<1x256x1408xbf16> to vector<256x1408xbf16>
    %get3A_1102 = arith.constant 1 : index
    %get3A_1103 = arith.constant 0 : index
    %get3A_1104 = arith.constant 0 : index
    %get3A_1105 = vector.load %arg2[%get3A_1102, %get3A_1103, %get3A_1104] : memref<9x256x256xbf16, #tpu.memory_space<vmem>>, vector<1x256x256xbf16>
    %get3A_1106 = vector.shape_cast %get3A_1105 : vector<1x256x256xbf16> to vector<256x256xbf16>
    %dot_general3A_1107 = arith.constant dense<0.000000e+00> : vector<256x1408xf32>
    %dot_general3A_1108 = tpu.matmul %get3A_1106, %get3A_1101, %dot_general3A_1107 {dimension_numbers = #tpu.dot_dimension_numbers<[1], [0], [0], [1], [0, 0, 1, 1], [], []>, transpose_lhs_hint = false} : vector<256x256xbf16>, vector<256x1408xbf16>, vector<256x1408xf32> -> vector<256x1408xf32>
    %add3A_1109 = arith.addf %add3A_1096, %dot_general3A_1108 : vector<256x1408xf32>
    %get3A_1110 = arith.constant 0 : index
    %get3A_1111 = arith.constant 0 : index
    %get3A_1112 = arith.constant 11266 : index
    %get3A_1113 = vector.load %arg1[%get3A_1110, %get3A_1111, %get3A_1112] : memref<1x256x16000xbf16, #tpu.memory_space<vmem>>, vector<1x256x1408xbf16>
    %get3A_1114 = vector.shape_cast %get3A_1113 : vector<1x256x1408xbf16> to vector<256x1408xbf16>
    %get3A_1115 = arith.constant 2 : index
    %get3A_1116 = arith.constant 0 : index
    %get3A_1117 = arith.constant 0 : index
    %get3A_1118 = vector.load %arg2[%get3A_1115, %get3A_1116, %get3A_1117] : memref<9x256x256xbf16, #tpu.memory_space<vmem>>, vector<1x256x256xbf16>
    %get3A_1119 = vector.shape_cast %get3A_1118 : vector<1x256x256xbf16> to vector<256x256xbf16>
    %dot_general3A_1120 = arith.constant dense<0.000000e+00> : vector<256x1408xf32>
    %dot_general3A_1121 = tpu.matmul %get3A_1119, %get3A_1114, %dot_general3A_1120 {dimension_numbers = #tpu.dot_dimension_numbers<[1], [0], [0], [1], [0, 0, 1, 1], [], []>, transpose_lhs_hint = false} : vector<256x256xbf16>, vector<256x1408xbf16>, vector<256x1408xf32> -> vector<256x1408xf32>
    %add3A_1122 = arith.addf %add3A_1109, %dot_general3A_1121 : vector<256x1408xf32>
    %get3A_1123 = arith.constant 0 : index
    %get3A_1124 = arith.constant 0 : index
    %get3A_1125 = arith.constant 11418 : index
    %get3A_1126 = vector.load %arg1[%get3A_1123, %get3A_1124, %get3A_1125] : memref<1x256x16000xbf16, #tpu.memory_space<vmem>>, vector<1x256x1408xbf16>
    %get3A_1127 = vector.shape_cast %get3A_1126 : vector<1x256x1408xbf16> to vector<256x1408xbf16>
    %get3A_1128 = arith.constant 3 : index
    %get3A_1129 = arith.constant 0 : index
    %get3A_1130 = arith.constant 0 : index
    %get3A_1131 = vector.load %arg2[%get3A_1128, %get3A_1129, %get3A_1130] : memref<9x256x256xbf16, #tpu.memory_space<vmem>>, vector<1x256x256xbf16>
    %get3A_1132 = vector.shape_cast %get3A_1131 : vector<1x256x256xbf16> to vector<256x256xbf16>
    %dot_general3A_1133 = arith.constant dense<0.000000e+00> : vector<256x1408xf32>
    %dot_general3A_1134 = tpu.matmul %get3A_1132, %get3A_1127, %dot_general3A_1133 {dimension_numbers = #tpu.dot_dimension_numbers<[1], [0], [0], [1], [0, 0, 1, 1], [], []>, transpose_lhs_hint = false} : vector<256x256xbf16>, vector<256x1408xbf16>, vector<256x1408xf32> -> vector<256x1408xf32>
    %add3A_1135 = arith.addf %add3A_1122, %dot_general3A_1134 : vector<256x1408xf32>
    %get3A_1136 = arith.constant 0 : index
    %get3A_1137 = arith.constant 0 : index
    %get3A_1138 = arith.constant 11419 : index
    %get3A_1139 = vector.load %arg1[%get3A_1136, %get3A_1137, %get3A_1138] : memref<1x256x16000xbf16, #tpu.memory_space<vmem>>, vector<1x256x1408xbf16>
    %get3A_1140 = vector.shape_cast %get3A_1139 : vector<1x256x1408xbf16> to vector<256x1408xbf16>
    %get3A_1141 = arith.constant 4 : index
    %get3A_1142 = arith.constant 0 : index
    %get3A_1143 = arith.constant 0 : index
    %get3A_1144 = vector.load %arg2[%get3A_1141, %get3A_1142, %get3A_1143] : memref<9x256x256xbf16, #tpu.memory_space<vmem>>, vector<1x256x256xbf16>
    %get3A_1145 = vector.shape_cast %get3A_1144 : vector<1x256x256xbf16> to vector<256x256xbf16>
    %dot_general3A_1146 = arith.constant dense<0.000000e+00> : vector<256x1408xf32>
    %dot_general3A_1147 = tpu.matmul %get3A_1145, %get3A_1140, %dot_general3A_1146 {dimension_numbers = #tpu.dot_dimension_numbers<[1], [0], [0], [1], [0, 0, 1, 1], [], []>, transpose_lhs_hint = false} : vector<256x256xbf16>, vector<256x1408xbf16>, vector<256x1408xf32> -> vector<256x1408xf32>
    %add3A_1148 = arith.addf %add3A_1135, %dot_general3A_1147 : vector<256x1408xf32>
    %get3A_1149 = arith.constant 0 : index
    %get3A_1150 = arith.constant 0 : index
    %get3A_1151 = arith.constant 11420 : index
    %get3A_1152 = vector.load %arg1[%get3A_1149, %get3A_1150, %get3A_1151] : memref<1x256x16000xbf16, #tpu.memory_space<vmem>>, vector<1x256x1408xbf16>
    %get3A_1153 = vector.shape_cast %get3A_1152 : vector<1x256x1408xbf16> to vector<256x1408xbf16>
    %get3A_1154 = arith.constant 5 : index
    %get3A_1155 = arith.constant 0 : index
    %get3A_1156 = arith.constant 0 : index
    %get3A_1157 = vector.load %arg2[%get3A_1154, %get3A_1155, %get3A_1156] : memref<9x256x256xbf16, #tpu.memory_space<vmem>>, vector<1x256x256xbf16>
    %get3A_1158 = vector.shape_cast %get3A_1157 : vector<1x256x256xbf16> to vector<256x256xbf16>
    %dot_general3A_1159 = arith.constant dense<0.000000e+00> : vector<256x1408xf32>
    %dot_general3A_1160 = tpu.matmul %get3A_1158, %get3A_1153, %dot_general3A_1159 {dimension_numbers = #tpu.dot_dimension_numbers<[1], [0], [0], [1], [0, 0, 1, 1], [], []>, transpose_lhs_hint = false} : vector<256x256xbf16>, vector<256x1408xbf16>, vector<256x1408xf32> -> vector<256x1408xf32>
    %add3A_1161 = arith.addf %add3A_1148, %dot_general3A_1160 : vector<256x1408xf32>
    %get3A_1162 = arith.constant 0 : index
    %get3A_1163 = arith.constant 0 : index
    %get3A_1164 = arith.constant 11572 : index
    %get3A_1165 = vector.load %arg1[%get3A_1162, %get3A_1163, %get3A_1164] : memref<1x256x16000xbf16, #tpu.memory_space<vmem>>, vector<1x256x1408xbf16>
    %get3A_1166 = vector.shape_cast %get3A_1165 : vector<1x256x1408xbf16> to vector<256x1408xbf16>
    %get3A_1167 = arith.constant 6 : index
    %get3A_1168 = arith.constant 0 : index
    %get3A_1169 = arith.constant 0 : index
    %get3A_1170 = vector.load %arg2[%get3A_1167, %get3A_1168, %get3A_1169] : memref<9x256x256xbf16, #tpu.memory_space<vmem>>, vector<1x256x256xbf16>
    %get3A_1171 = vector.shape_cast %get3A_1170 : vector<1x256x256xbf16> to vector<256x256xbf16>
    %dot_general3A_1172 = arith.constant dense<0.000000e+00> : vector<256x1408xf32>
    %dot_general3A_1173 = tpu.matmul %get3A_1171, %get3A_1166, %dot_general3A_1172 {dimension_numbers = #tpu.dot_dimension_numbers<[1], [0], [0], [1], [0, 0, 1, 1], [], []>, transpose_lhs_hint = false} : vector<256x256xbf16>, vector<256x1408xbf16>, vector<256x1408xf32> -> vector<256x1408xf32>
    %add3A_1174 = arith.addf %add3A_1161, %dot_general3A_1173 : vector<256x1408xf32>
    %get3A_1175 = arith.constant 0 : index
    %get3A_1176 = arith.constant 0 : index
    %get3A_1177 = arith.constant 11573 : index
    %get3A_1178 = vector.load %arg1[%get3A_1175, %get3A_1176, %get3A_1177] : memref<1x256x16000xbf16, #tpu.memory_space<vmem>>, vector<1x256x1408xbf16>
    %get3A_1179 = vector.shape_cast %get3A_1178 : vector<1x256x1408xbf16> to vector<256x1408xbf16>
    %get3A_1180 = arith.constant 7 : index
    %get3A_1181 = arith.constant 0 : index
    %get3A_1182 = arith.constant 0 : index
    %get3A_1183 = vector.load %arg2[%get3A_1180, %get3A_1181, %get3A_1182] : memref<9x256x256xbf16, #tpu.memory_space<vmem>>, vector<1x256x256xbf16>
    %get3A_1184 = vector.shape_cast %get3A_1183 : vector<1x256x256xbf16> to vector<256x256xbf16>
    %dot_general3A_1185 = arith.constant dense<0.000000e+00> : vector<256x1408xf32>
    %dot_general3A_1186 = tpu.matmul %get3A_1184, %get3A_1179, %dot_general3A_1185 {dimension_numbers = #tpu.dot_dimension_numbers<[1], [0], [0], [1], [0, 0, 1, 1], [], []>, transpose_lhs_hint = false} : vector<256x256xbf16>, vector<256x1408xbf16>, vector<256x1408xf32> -> vector<256x1408xf32>
    %add3A_1187 = arith.addf %add3A_1174, %dot_general3A_1186 : vector<256x1408xf32>
    %get3A_1188 = arith.constant 0 : index
    %get3A_1189 = arith.constant 0 : index
    %get3A_1190 = arith.constant 11574 : index
    %get3A_1191 = vector.load %arg1[%get3A_1188, %get3A_1189, %get3A_1190] : memref<1x256x16000xbf16, #tpu.memory_space<vmem>>, vector<1x256x1408xbf16>
    %get3A_1192 = vector.shape_cast %get3A_1191 : vector<1x256x1408xbf16> to vector<256x1408xbf16>
    %get3A_1193 = arith.constant 8 : index
    %get3A_1194 = arith.constant 0 : index
    %get3A_1195 = arith.constant 0 : index
    %get3A_1196 = vector.load %arg2[%get3A_1193, %get3A_1194, %get3A_1195] : memref<9x256x256xbf16, #tpu.memory_space<vmem>>, vector<1x256x256xbf16>
    %get3A_1197 = vector.shape_cast %get3A_1196 : vector<1x256x256xbf16> to vector<256x256xbf16>
    %dot_general3A_1198 = arith.constant dense<0.000000e+00> : vector<256x1408xf32>
    %dot_general3A_1199 = tpu.matmul %get3A_1197, %get3A_1192, %dot_general3A_1198 {dimension_numbers = #tpu.dot_dimension_numbers<[1], [0], [0], [1], [0, 0, 1, 1], [], []>, transpose_lhs_hint = false} : vector<256x256xbf16>, vector<256x1408xbf16>, vector<256x1408xf32> -> vector<256x1408xf32>
    %add3A_1200 = arith.addf %add3A_1187, %dot_general3A_1199 : vector<256x1408xf32>
    %add3A_1201 = vector.broadcast %get3A_1 : vector<256x1xf32> to vector<256x1408xf32>
    %add3A_1202 = arith.addf %add3A_1200, %add3A_1201 : vector<256x1408xf32>
    %max3A_1203 = arith.constant 0.000000e+00 : f32
    %max3A_1204 = vector.broadcast %max3A_1203 : f32 to vector<256x1408xf32>
    %max3A_1205 = arith.maximumf %add3A_1202, %max3A_1204 : vector<256x1408xf32>
    %convert_element_type3A_1206 = arith.truncf %max3A_1205 : vector<256x1408xf32> to vector<256x1408xbf16>
    %dot_general3A_1207 = arith.constant dense<0.000000e+00> : vector<16x1408xf32>
    %dot_general3A_1208 = tpu.matmul %get3A_7, %convert_element_type3A_1206, %dot_general3A_1207 {dimension_numbers = #tpu.dot_dimension_numbers<[1], [0], [0], [1], [0, 0, 1, 1], [], []>, transpose_lhs_hint = false} : vector<16x256xbf16>, vector<256x1408xbf16>, vector<16x1408xf32> -> vector<16x1408xf32>
    %add3A_1209 = vector.broadcast %get3A_4 : vector<16x1xf32> to vector<16x1408xf32>
    %add3A_1210 = arith.addf %dot_general3A_1208, %add3A_1209 : vector<16x1408xf32>
    %swap3A_1211 = arith.constant 0 : index
    %swap3A_1212 = arith.constant 0 : index
    %swap3A_1213 = arith.constant 11264 : index
    %swap3A_1214 = vector.load %arg6[%swap3A_1211, %swap3A_1212, %swap3A_1213] : memref<1x16x15488xf32, #tpu.memory_space<vmem>>, vector<1x16x1408xf32>
    %swap3A_1215 = vector.shape_cast %swap3A_1214 : vector<1x16x1408xf32> to vector<16x1408xf32>
    %swap3A_1216 = vector.shape_cast %add3A_1210 : vector<16x1408xf32> to vector<1x16x1408xf32>
    tpu.vector_store %arg6[%swap3A_1211, %swap3A_1212, %swap3A_1213], %swap3A_1216 {strides = array<i32>} : memref<1x16x15488xf32, #tpu.memory_space<vmem>>, vector<1x16x1408xf32>,
    %broadcast_in_dim3A_1217 = arith.constant 0.000000e+00 : f32
    %broadcast_in_dim3A_1218 = vector.broadcast %broadcast_in_dim3A_1217 : f32 to vector<256x1408xf32>
    %get3A_1219 = arith.constant 0 : index
    %get3A_1220 = arith.constant 0 : index
    %get3A_1221 = arith.constant 12672 : index
    %get3A_1222 = vector.load %arg1[%get3A_1219, %get3A_1220, %get3A_1221] : memref<1x256x16000xbf16, #tpu.memory_space<vmem>>, vector<1x256x1408xbf16>
    %get3A_1223 = vector.shape_cast %get3A_1222 : vector<1x256x1408xbf16> to vector<256x1408xbf16>
    %get3A_1224 = arith.constant 0 : index
    %get3A_1225 = arith.constant 0 : index
    %get3A_1226 = arith.constant 0 : index
    %get3A_1227 = vector.load %arg2[%get3A_1224, %get3A_1225, %get3A_1226] : memref<9x256x256xbf16, #tpu.memory_space<vmem>>, vector<1x256x256xbf16>
    %get3A_1228 = vector.shape_cast %get3A_1227 : vector<1x256x256xbf16> to vector<256x256xbf16>
    %dot_general3A_1229 = arith.constant dense<0.000000e+00> : vector<256x1408xf32>
    %dot_general3A_1230 = tpu.matmul %get3A_1228, %get3A_1223, %dot_general3A_1229 {dimension_numbers = #tpu.dot_dimension_numbers<[1], [0], [0], [1], [0, 0, 1, 1], [], []>, transpose_lhs_hint = false} : vector<256x256xbf16>, vector<256x1408xbf16>, vector<256x1408xf32> -> vector<256x1408xf32>
    %add3A_1231 = arith.addf %broadcast_in_dim3A_1218, %dot_general3A_1230 : vector<256x1408xf32>
    %get3A_1232 = arith.constant 0 : index
    %get3A_1233 = arith.constant 0 : index
    %get3A_1234 = arith.constant 12673 : index
    %get3A_1235 = vector.load %arg1[%get3A_1232, %get3A_1233, %get3A_1234] : memref<1x256x16000xbf16, #tpu.memory_space<vmem>>, vector<1x256x1408xbf16>
    %get3A_1236 = vector.shape_cast %get3A_1235 : vector<1x256x1408xbf16> to vector<256x1408xbf16>
    %get3A_1237 = arith.constant 1 : index
    %get3A_1238 = arith.constant 0 : index
    %get3A_1239 = arith.constant 0 : index
    %get3A_1240 = vector.load %arg2[%get3A_1237, %get3A_1238, %get3A_1239] : memref<9x256x256xbf16, #tpu.memory_space<vmem>>, vector<1x256x256xbf16>
    %get3A_1241 = vector.shape_cast %get3A_1240 : vector<1x256x256xbf16> to vector<256x256xbf16>
    %dot_general3A_1242 = arith.constant dense<0.000000e+00> : vector<256x1408xf32>
    %dot_general3A_1243 = tpu.matmul %get3A_1241, %get3A_1236, %dot_general3A_1242 {dimension_numbers = #tpu.dot_dimension_numbers<[1], [0], [0], [1], [0, 0, 1, 1], [], []>, transpose_lhs_hint = false} : vector<256x256xbf16>, vector<256x1408xbf16>, vector<256x1408xf32> -> vector<256x1408xf32>
    %add3A_1244 = arith.addf %add3A_1231, %dot_general3A_1243 : vector<256x1408xf32>
    %get3A_1245 = arith.constant 0 : index
    %get3A_1246 = arith.constant 0 : index
    %get3A_1247 = arith.constant 12674 : index
    %get3A_1248 = vector.load %arg1[%get3A_1245, %get3A_1246, %get3A_1247] : memref<1x256x16000xbf16, #tpu.memory_space<vmem>>, vector<1x256x1408xbf16>
    %get3A_1249 = vector.shape_cast %get3A_1248 : vector<1x256x1408xbf16> to vector<256x1408xbf16>
    %get3A_1250 = arith.constant 2 : index
    %get3A_1251 = arith.constant 0 : index
    %get3A_1252 = arith.constant 0 : index
    %get3A_1253 = vector.load %arg2[%get3A_1250, %get3A_1251, %get3A_1252] : memref<9x256x256xbf16, #tpu.memory_space<vmem>>, vector<1x256x256xbf16>
    %get3A_1254 = vector.shape_cast %get3A_1253 : vector<1x256x256xbf16> to vector<256x256xbf16>
    %dot_general3A_1255 = arith.constant dense<0.000000e+00> : vector<256x1408xf32>
    %dot_general3A_1256 = tpu.matmul %get3A_1254, %get3A_1249, %dot_general3A_1255 {dimension_numbers = #tpu.dot_dimension_numbers<[1], [0], [0], [1], [0, 0, 1, 1], [], []>, transpose_lhs_hint = false} : vector<256x256xbf16>, vector<256x1408xbf16>, vector<256x1408xf32> -> vector<256x1408xf32>
    %add3A_1257 = arith.addf %add3A_1244, %dot_general3A_1256 : vector<256x1408xf32>
    %get3A_1258 = arith.constant 0 : index
    %get3A_1259 = arith.constant 0 : index
    %get3A_1260 = arith.constant 12826 : index
    %get3A_1261 = vector.load %arg1[%get3A_1258, %get3A_1259, %get3A_1260] : memref<1x256x16000xbf16, #tpu.memory_space<vmem>>, vector<1x256x1408xbf16>
    %get3A_1262 = vector.shape_cast %get3A_1261 : vector<1x256x1408xbf16> to vector<256x1408xbf16>
    %get3A_1263 = arith.constant 3 : index
    %get3A_1264 = arith.constant 0 : index
    %get3A_1265 = arith.constant 0 : index
    %get3A_1266 = vector.load %arg2[%get3A_1263, %get3A_1264, %get3A_1265] : memref<9x256x256xbf16, #tpu.memory_space<vmem>>, vector<1x256x256xbf16>
    %get3A_1267 = vector.shape_cast %get3A_1266 : vector<1x256x256xbf16> to vector<256x256xbf16>
    %dot_general3A_1268 = arith.constant dense<0.000000e+00> : vector<256x1408xf32>
    %dot_general3A_1269 = tpu.matmul %get3A_1267, %get3A_1262, %dot_general3A_1268 {dimension_numbers = #tpu.dot_dimension_numbers<[1], [0], [0], [1], [0, 0, 1, 1], [], []>, transpose_lhs_hint = false} : vector<256x256xbf16>, vector<256x1408xbf16>, vector<256x1408xf32> -> vector<256x1408xf32>
    %add3A_1270 = arith.addf %add3A_1257, %dot_general3A_1269 : vector<256x1408xf32>
    %get3A_1271 = arith.constant 0 : index
    %get3A_1272 = arith.constant 0 : index
    %get3A_1273 = arith.constant 12827 : index
    %get3A_1274 = vector.load %arg1[%get3A_1271, %get3A_1272, %get3A_1273] : memref<1x256x16000xbf16, #tpu.memory_space<vmem>>, vector<1x256x1408xbf16>
    %get3A_1275 = vector.shape_cast %get3A_1274 : vector<1x256x1408xbf16> to vector<256x1408xbf16>
    %get3A_1276 = arith.constant 4 : index
    %get3A_1277 = arith.constant 0 : index
    %get3A_1278 = arith.constant 0 : index
    %get3A_1279 = vector.load %arg2[%get3A_1276, %get3A_1277, %get3A_1278] : memref<9x256x256xbf16, #tpu.memory_space<vmem>>, vector<1x256x256xbf16>
    %get3A_1280 = vector.shape_cast %get3A_1279 : vector<1x256x256xbf16> to vector<256x256xbf16>
    %dot_general3A_1281 = arith.constant dense<0.000000e+00> : vector<256x1408xf32>
    %dot_general3A_1282 = tpu.matmul %get3A_1280, %get3A_1275, %dot_general3A_1281 {dimension_numbers = #tpu.dot_dimension_numbers<[1], [0], [0], [1], [0, 0, 1, 1], [], []>, transpose_lhs_hint = false} : vector<256x256xbf16>, vector<256x1408xbf16>, vector<256x1408xf32> -> vector<256x1408xf32>
    %add3A_1283 = arith.addf %add3A_1270, %dot_general3A_1282 : vector<256x1408xf32>
    %get3A_1284 = arith.constant 0 : index
    %get3A_1285 = arith.constant 0 : index
    %get3A_1286 = arith.constant 12828 : index
    %get3A_1287 = vector.load %arg1[%get3A_1284, %get3A_1285, %get3A_1286] : memref<1x256x16000xbf16, #tpu.memory_space<vmem>>, vector<1x256x1408xbf16>
    %get3A_1288 = vector.shape_cast %get3A_1287 : vector<1x256x1408xbf16> to vector<256x1408xbf16>
    %get3A_1289 = arith.constant 5 : index
    %get3A_1290 = arith.constant 0 : index
    %get3A_1291 = arith.constant 0 : index
    %get3A_1292 = vector.load %arg2[%get3A_1289, %get3A_1290, %get3A_1291] : memref<9x256x256xbf16, #tpu.memory_space<vmem>>, vector<1x256x256xbf16>
    %get3A_1293 = vector.shape_cast %get3A_1292 : vector<1x256x256xbf16> to vector<256x256xbf16>
    %dot_general3A_1294 = arith.constant dense<0.000000e+00> : vector<256x1408xf32>
    %dot_general3A_1295 = tpu.matmul %get3A_1293, %get3A_1288, %dot_general3A_1294 {dimension_numbers = #tpu.dot_dimension_numbers<[1], [0], [0], [1], [0, 0, 1, 1], [], []>, transpose_lhs_hint = false} : vector<256x256xbf16>, vector<256x1408xbf16>, vector<256x1408xf32> -> vector<256x1408xf32>
    %add3A_1296 = arith.addf %add3A_1283, %dot_general3A_1295 : vector<256x1408xf32>
    %get3A_1297 = arith.constant 0 : index
    %get3A_1298 = arith.constant 0 : index
    %get3A_1299 = arith.constant 12980 : index
    %get3A_1300 = vector.load %arg1[%get3A_1297, %get3A_1298, %get3A_1299] : memref<1x256x16000xbf16, #tpu.memory_space<vmem>>, vector<1x256x1408xbf16>
    %get3A_1301 = vector.shape_cast %get3A_1300 : vector<1x256x1408xbf16> to vector<256x1408xbf16>
    %get3A_1302 = arith.constant 6 : index
    %get3A_1303 = arith.constant 0 : index
    %get3A_1304 = arith.constant 0 : index
    %get3A_1305 = vector.load %arg2[%get3A_1302, %get3A_1303, %get3A_1304] : memref<9x256x256xbf16, #tpu.memory_space<vmem>>, vector<1x256x256xbf16>
    %get3A_1306 = vector.shape_cast %get3A_1305 : vector<1x256x256xbf16> to vector<256x256xbf16>
    %dot_general3A_1307 = arith.constant dense<0.000000e+00> : vector<256x1408xf32>
    %dot_general3A_1308 = tpu.matmul %get3A_1306, %get3A_1301, %dot_general3A_1307 {dimension_numbers = #tpu.dot_dimension_numbers<[1], [0], [0], [1], [0, 0, 1, 1], [], []>, transpose_lhs_hint = false} : vector<256x256xbf16>, vector<256x1408xbf16>, vector<256x1408xf32> -> vector<256x1408xf32>
    %add3A_1309 = arith.addf %add3A_1296, %dot_general3A_1308 : vector<256x1408xf32>
    %get3A_1310 = arith.constant 0 : index
    %get3A_1311 = arith.constant 0 : index
    %get3A_1312 = arith.constant 12981 : index
    %get3A_1313 = vector.load %arg1[%get3A_1310, %get3A_1311, %get3A_1312] : memref<1x256x16000xbf16, #tpu.memory_space<vmem>>, vector<1x256x1408xbf16>
    %get3A_1314 = vector.shape_cast %get3A_1313 : vector<1x256x1408xbf16> to vector<256x1408xbf16>
    %get3A_1315 = arith.constant 7 : index
    %get3A_1316 = arith.constant 0 : index
    %get3A_1317 = arith.constant 0 : index
    %get3A_1318 = vector.load %arg2[%get3A_1315, %get3A_1316, %get3A_1317] : memref<9x256x256xbf16, #tpu.memory_space<vmem>>, vector<1x256x256xbf16>
    %get3A_1319 = vector.shape_cast %get3A_1318 : vector<1x256x256xbf16> to vector<256x256xbf16>
    %dot_general3A_1320 = arith.constant dense<0.000000e+00> : vector<256x1408xf32>
    %dot_general3A_1321 = tpu.matmul %get3A_1319, %get3A_1314, %dot_general3A_1320 {dimension_numbers = #tpu.dot_dimension_numbers<[1], [0], [0], [1], [0, 0, 1, 1], [], []>, transpose_lhs_hint = false} : vector<256x256xbf16>, vector<256x1408xbf16>, vector<256x1408xf32> -> vector<256x1408xf32>
    %add3A_1322 = arith.addf %add3A_1309, %dot_general3A_1321 : vector<256x1408xf32>
    %get3A_1323 = arith.constant 0 : index
    %get3A_1324 = arith.constant 0 : index
    %get3A_1325 = arith.constant 12982 : index
    %get3A_1326 = vector.load %arg1[%get3A_1323, %get3A_1324, %get3A_1325] : memref<1x256x16000xbf16, #tpu.memory_space<vmem>>, vector<1x256x1408xbf16>
    %get3A_1327 = vector.shape_cast %get3A_1326 : vector<1x256x1408xbf16> to vector<256x1408xbf16>
    %get3A_1328 = arith.constant 8 : index
    %get3A_1329 = arith.constant 0 : index
    %get3A_1330 = arith.constant 0 : index
    %get3A_1331 = vector.load %arg2[%get3A_1328, %get3A_1329, %get3A_1330] : memref<9x256x256xbf16, #tpu.memory_space<vmem>>, vector<1x256x256xbf16>
    %get3A_1332 = vector.shape_cast %get3A_1331 : vector<1x256x256xbf16> to vector<256x256xbf16>
    %dot_general3A_1333 = arith.constant dense<0.000000e+00> : vector<256x1408xf32>
    %dot_general3A_1334 = tpu.matmul %get3A_1332, %get3A_1327, %dot_general3A_1333 {dimension_numbers = #tpu.dot_dimension_numbers<[1], [0], [0], [1], [0, 0, 1, 1], [], []>, transpose_lhs_hint = false} : vector<256x256xbf16>, vector<256x1408xbf16>, vector<256x1408xf32> -> vector<256x1408xf32>
    %add3A_1335 = arith.addf %add3A_1322, %dot_general3A_1334 : vector<256x1408xf32>
    %add3A_1336 = vector.broadcast %get3A_1 : vector<256x1xf32> to vector<256x1408xf32>
    %add3A_1337 = arith.addf %add3A_1335, %add3A_1336 : vector<256x1408xf32>
    %max3A_1338 = arith.constant 0.000000e+00 : f32
    %max3A_1339 = vector.broadcast %max3A_1338 : f32 to vector<256x1408xf32>
    %max3A_1340 = arith.maximumf %add3A_1337, %max3A_1339 : vector<256x1408xf32>
    %convert_element_type3A_1341 = arith.truncf %max3A_1340 : vector<256x1408xf32> to vector<256x1408xbf16>
    %dot_general3A_1342 = arith.constant dense<0.000000e+00> : vector<16x1408xf32>
    %dot_general3A_1343 = tpu.matmul %get3A_7, %convert_element_type3A_1341, %dot_general3A_1342 {dimension_numbers = #tpu.dot_dimension_numbers<[1], [0], [0], [1], [0, 0, 1, 1], [], []>, transpose_lhs_hint = false} : vector<16x256xbf16>, vector<256x1408xbf16>, vector<16x1408xf32> -> vector<16x1408xf32>
    %add3A_1344 = vector.broadcast %get3A_4 : vector<16x1xf32> to vector<16x1408xf32>
    %add3A_1345 = arith.addf %dot_general3A_1343, %add3A_1344 : vector<16x1408xf32>
    %swap3A_1346 = arith.constant 0 : index
    %swap3A_1347 = arith.constant 0 : index
    %swap3A_1348 = arith.constant 12672 : index
    %swap3A_1349 = vector.load %arg6[%swap3A_1346, %swap3A_1347, %swap3A_1348] : memref<1x16x15488xf32, #tpu.memory_space<vmem>>, vector<1x16x1408xf32>
    %swap3A_1350 = vector.shape_cast %swap3A_1349 : vector<1x16x1408xf32> to vector<16x1408xf32>
    %swap3A_1351 = vector.shape_cast %add3A_1345 : vector<16x1408xf32> to vector<1x16x1408xf32>
    tpu.vector_store %arg6[%swap3A_1346, %swap3A_1347, %swap3A_1348], %swap3A_1351 {strides = array<i32>} : memref<1x16x15488xf32, #tpu.memory_space<vmem>>, vector<1x16x1408xf32>,
    %broadcast_in_dim3A_1352 = arith.constant 0.000000e+00 : f32
    %broadcast_in_dim3A_1353 = vector.broadcast %broadcast_in_dim3A_1352 : f32 to vector<256x1408xf32>
    %get3A_1354 = arith.constant 0 : index
    %get3A_1355 = arith.constant 0 : index
    %get3A_1356 = arith.constant 14080 : index
    %get3A_1357 = vector.load %arg1[%get3A_1354, %get3A_1355, %get3A_1356] : memref<1x256x16000xbf16, #tpu.memory_space<vmem>>, vector<1x256x1408xbf16>
    %get3A_1358 = vector.shape_cast %get3A_1357 : vector<1x256x1408xbf16> to vector<256x1408xbf16>
    %get3A_1359 = arith.constant 0 : index
    %get3A_1360 = arith.constant 0 : index
    %get3A_1361 = arith.constant 0 : index
    %get3A_1362 = vector.load %arg2[%get3A_1359, %get3A_1360, %get3A_1361] : memref<9x256x256xbf16, #tpu.memory_space<vmem>>, vector<1x256x256xbf16>
    %get3A_1363 = vector.shape_cast %get3A_1362 : vector<1x256x256xbf16> to vector<256x256xbf16>
    %dot_general3A_1364 = arith.constant dense<0.000000e+00> : vector<256x1408xf32>
    %dot_general3A_1365 = tpu.matmul %get3A_1363, %get3A_1358, %dot_general3A_1364 {dimension_numbers = #tpu.dot_dimension_numbers<[1], [0], [0], [1], [0, 0, 1, 1], [], []>, transpose_lhs_hint = false} : vector<256x256xbf16>, vector<256x1408xbf16>, vector<256x1408xf32> -> vector<256x1408xf32>
    %add3A_1366 = arith.addf %broadcast_in_dim3A_1353, %dot_general3A_1365 : vector<256x1408xf32>
    %get3A_1367 = arith.constant 0 : index
    %get3A_1368 = arith.constant 0 : index
    %get3A_1369 = arith.constant 14081 : index
    %get3A_1370 = vector.load %arg1[%get3A_1367, %get3A_1368, %get3A_1369] : memref<1x256x16000xbf16, #tpu.memory_space<vmem>>, vector<1x256x1408xbf16>
    %get3A_1371 = vector.shape_cast %get3A_1370 : vector<1x256x1408xbf16> to vector<256x1408xbf16>
    %get3A_1372 = arith.constant 1 : index
    %get3A_1373 = arith.constant 0 : index
    %get3A_1374 = arith.constant 0 : index
    %get3A_1375 = vector.load %arg2[%get3A_1372, %get3A_1373, %get3A_1374] : memref<9x256x256xbf16, #tpu.memory_space<vmem>>, vector<1x256x256xbf16>
    %get3A_1376 = vector.shape_cast %get3A_1375 : vector<1x256x256xbf16> to vector<256x256xbf16>
    %dot_general3A_1377 = arith.constant dense<0.000000e+00> : vector<256x1408xf32>
    %dot_general3A_1378 = tpu.matmul %get3A_1376, %get3A_1371, %dot_general3A_1377 {dimension_numbers = #tpu.dot_dimension_numbers<[1], [0], [0], [1], [0, 0, 1, 1], [], []>, transpose_lhs_hint = false} : vector<256x256xbf16>, vector<256x1408xbf16>, vector<256x1408xf32> -> vector<256x1408xf32>
    %add3A_1379 = arith.addf %add3A_1366, %dot_general3A_1378 : vector<256x1408xf32>
    %get3A_1380 = arith.constant 0 : index
    %get3A_1381 = arith.constant 0 : index
    %get3A_1382 = arith.constant 14082 : index
    %get3A_1383 = vector.load %arg1[%get3A_1380, %get3A_1381, %get3A_1382] : memref<1x256x16000xbf16, #tpu.memory_space<vmem>>, vector<1x256x1408xbf16>
    %get3A_1384 = vector.shape_cast %get3A_1383 : vector<1x256x1408xbf16> to vector<256x1408xbf16>
    %get3A_1385 = arith.constant 2 : index
    %get3A_1386 = arith.constant 0 : index
    %get3A_1387 = arith.constant 0 : index
    %get3A_1388 = vector.load %arg2[%get3A_1385, %get3A_1386, %get3A_1387] : memref<9x256x256xbf16, #tpu.memory_space<vmem>>, vector<1x256x256xbf16>
    %get3A_1389 = vector.shape_cast %get3A_1388 : vector<1x256x256xbf16> to vector<256x256xbf16>
    %dot_general3A_1390 = arith.constant dense<0.000000e+00> : vector<256x1408xf32>
    %dot_general3A_1391 = tpu.matmul %get3A_1389, %get3A_1384, %dot_general3A_1390 {dimension_numbers = #tpu.dot_dimension_numbers<[1], [0], [0], [1], [0, 0, 1, 1], [], []>, transpose_lhs_hint = false} : vector<256x256xbf16>, vector<256x1408xbf16>, vector<256x1408xf32> -> vector<256x1408xf32>
    %add3A_1392 = arith.addf %add3A_1379, %dot_general3A_1391 : vector<256x1408xf32>
    %get3A_1393 = arith.constant 0 : index
    %get3A_1394 = arith.constant 0 : index
    %get3A_1395 = arith.constant 14234 : index
    %get3A_1396 = vector.load %arg1[%get3A_1393, %get3A_1394, %get3A_1395] : memref<1x256x16000xbf16, #tpu.memory_space<vmem>>, vector<1x256x1408xbf16>
    %get3A_1397 = vector.shape_cast %get3A_1396 : vector<1x256x1408xbf16> to vector<256x1408xbf16>
    %get3A_1398 = arith.constant 3 : index
    %get3A_1399 = arith.constant 0 : index
    %get3A_1400 = arith.constant 0 : index
    %get3A_1401 = vector.load %arg2[%get3A_1398, %get3A_1399, %get3A_1400] : memref<9x256x256xbf16, #tpu.memory_space<vmem>>, vector<1x256x256xbf16>
    %get3A_1402 = vector.shape_cast %get3A_1401 : vector<1x256x256xbf16> to vector<256x256xbf16>
    %dot_general3A_1403 = arith.constant dense<0.000000e+00> : vector<256x1408xf32>
    %dot_general3A_1404 = tpu.matmul %get3A_1402, %get3A_1397, %dot_general3A_1403 {dimension_numbers = #tpu.dot_dimension_numbers<[1], [0], [0], [1], [0, 0, 1, 1], [], []>, transpose_lhs_hint = false} : vector<256x256xbf16>, vector<256x1408xbf16>, vector<256x1408xf32> -> vector<256x1408xf32>
    %add3A_1405 = arith.addf %add3A_1392, %dot_general3A_1404 : vector<256x1408xf32>
    %get3A_1406 = arith.constant 0 : index
    %get3A_1407 = arith.constant 0 : index
    %get3A_1408 = arith.constant 14235 : index
    %get3A_1409 = vector.load %arg1[%get3A_1406, %get3A_1407, %get3A_1408] : memref<1x256x16000xbf16, #tpu.memory_space<vmem>>, vector<1x256x1408xbf16>
    %get3A_1410 = vector.shape_cast %get3A_1409 : vector<1x256x1408xbf16> to vector<256x1408xbf16>
    %get3A_1411 = arith.constant 4 : index
    %get3A_1412 = arith.constant 0 : index
    %get3A_1413 = arith.constant 0 : index
    %get3A_1414 = vector.load %arg2[%get3A_1411, %get3A_1412, %get3A_1413] : memref<9x256x256xbf16, #tpu.memory_space<vmem>>, vector<1x256x256xbf16>
    %get3A_1415 = vector.shape_cast %get3A_1414 : vector<1x256x256xbf16> to vector<256x256xbf16>
    %dot_general3A_1416 = arith.constant dense<0.000000e+00> : vector<256x1408xf32>
    %dot_general3A_1417 = tpu.matmul %get3A_1415, %get3A_1410, %dot_general3A_1416 {dimension_numbers = #tpu.dot_dimension_numbers<[1], [0], [0], [1], [0, 0, 1, 1], [], []>, transpose_lhs_hint = false} : vector<256x256xbf16>, vector<256x1408xbf16>, vector<256x1408xf32> -> vector<256x1408xf32>
    %add3A_1418 = arith.addf %add3A_1405, %dot_general3A_1417 : vector<256x1408xf32>
    %get3A_1419 = arith.constant 0 : index
    %get3A_1420 = arith.constant 0 : index
    %get3A_1421 = arith.constant 14236 : index
    %get3A_1422 = vector.load %arg1[%get3A_1419, %get3A_1420, %get3A_1421] : memref<1x256x16000xbf16, #tpu.memory_space<vmem>>, vector<1x256x1408xbf16>
    %get3A_1423 = vector.shape_cast %get3A_1422 : vector<1x256x1408xbf16> to vector<256x1408xbf16>
    %get3A_1424 = arith.constant 5 : index
    %get3A_1425 = arith.constant 0 : index
    %get3A_1426 = arith.constant 0 : index
    %get3A_1427 = vector.load %arg2[%get3A_1424, %get3A_1425, %get3A_1426] : memref<9x256x256xbf16, #tpu.memory_space<vmem>>, vector<1x256x256xbf16>
    %get3A_1428 = vector.shape_cast %get3A_1427 : vector<1x256x256xbf16> to vector<256x256xbf16>
    %dot_general3A_1429 = arith.constant dense<0.000000e+00> : vector<256x1408xf32>
    %dot_general3A_1430 = tpu.matmul %get3A_1428, %get3A_1423, %dot_general3A_1429 {dimension_numbers = #tpu.dot_dimension_numbers<[1], [0], [0], [1], [0, 0, 1, 1], [], []>, transpose_lhs_hint = false} : vector<256x256xbf16>, vector<256x1408xbf16>, vector<256x1408xf32> -> vector<256x1408xf32>
    %add3A_1431 = arith.addf %add3A_1418, %dot_general3A_1430 : vector<256x1408xf32>
    %get3A_1432 = arith.constant 0 : index
    %get3A_1433 = arith.constant 0 : index
    %get3A_1434 = arith.constant 14388 : index
    %get3A_1435 = vector.load %arg1[%get3A_1432, %get3A_1433, %get3A_1434] : memref<1x256x16000xbf16, #tpu.memory_space<vmem>>, vector<1x256x1408xbf16>
    %get3A_1436 = vector.shape_cast %get3A_1435 : vector<1x256x1408xbf16> to vector<256x1408xbf16>
    %get3A_1437 = arith.constant 6 : index
    %get3A_1438 = arith.constant 0 : index
    %get3A_1439 = arith.constant 0 : index
    %get3A_1440 = vector.load %arg2[%get3A_1437, %get3A_1438, %get3A_1439] : memref<9x256x256xbf16, #tpu.memory_space<vmem>>, vector<1x256x256xbf16>
    %get3A_1441 = vector.shape_cast %get3A_1440 : vector<1x256x256xbf16> to vector<256x256xbf16>
    %dot_general3A_1442 = arith.constant dense<0.000000e+00> : vector<256x1408xf32>
    %dot_general3A_1443 = tpu.matmul %get3A_1441, %get3A_1436, %dot_general3A_1442 {dimension_numbers = #tpu.dot_dimension_numbers<[1], [0], [0], [1], [0, 0, 1, 1], [], []>, transpose_lhs_hint = false} : vector<256x256xbf16>, vector<256x1408xbf16>, vector<256x1408xf32> -> vector<256x1408xf32>
    %add3A_1444 = arith.addf %add3A_1431, %dot_general3A_1443 : vector<256x1408xf32>
    %get3A_1445 = arith.constant 0 : index
    %get3A_1446 = arith.constant 0 : index
    %get3A_1447 = arith.constant 14389 : index
    %get3A_1448 = vector.load %arg1[%get3A_1445, %get3A_1446, %get3A_1447] : memref<1x256x16000xbf16, #tpu.memory_space<vmem>>, vector<1x256x1408xbf16>
    %get3A_1449 = vector.shape_cast %get3A_1448 : vector<1x256x1408xbf16> to vector<256x1408xbf16>
    %get3A_1450 = arith.constant 7 : index
    %get3A_1451 = arith.constant 0 : index
    %get3A_1452 = arith.constant 0 : index
    %get3A_1453 = vector.load %arg2[%get3A_1450, %get3A_1451, %get3A_1452] : memref<9x256x256xbf16, #tpu.memory_space<vmem>>, vector<1x256x256xbf16>
    %get3A_1454 = vector.shape_cast %get3A_1453 : vector<1x256x256xbf16> to vector<256x256xbf16>
    %dot_general3A_1455 = arith.constant dense<0.000000e+00> : vector<256x1408xf32>
    %dot_general3A_1456 = tpu.matmul %get3A_1454, %get3A_1449, %dot_general3A_1455 {dimension_numbers = #tpu.dot_dimension_numbers<[1], [0], [0], [1], [0, 0, 1, 1], [], []>, transpose_lhs_hint = false} : vector<256x256xbf16>, vector<256x1408xbf16>, vector<256x1408xf32> -> vector<256x1408xf32>
    %add3A_1457 = arith.addf %add3A_1444, %dot_general3A_1456 : vector<256x1408xf32>
    %get3A_1458 = arith.constant 0 : index
    %get3A_1459 = arith.constant 0 : index
    %get3A_1460 = arith.constant 14390 : index
    %get3A_1461 = vector.load %arg1[%get3A_1458, %get3A_1459, %get3A_1460] : memref<1x256x16000xbf16, #tpu.memory_space<vmem>>, vector<1x256x1408xbf16>
    %get3A_1462 = vector.shape_cast %get3A_1461 : vector<1x256x1408xbf16> to vector<256x1408xbf16>
    %get3A_1463 = arith.constant 8 : index
    %get3A_1464 = arith.constant 0 : index
    %get3A_1465 = arith.constant 0 : index
    %get3A_1466 = vector.load %arg2[%get3A_1463, %get3A_1464, %get3A_1465] : memref<9x256x256xbf16, #tpu.memory_space<vmem>>, vector<1x256x256xbf16>
    %get3A_1467 = vector.shape_cast %get3A_1466 : vector<1x256x256xbf16> to vector<256x256xbf16>
    %dot_general3A_1468 = arith.constant dense<0.000000e+00> : vector<256x1408xf32>
    %dot_general3A_1469 = tpu.matmul %get3A_1467, %get3A_1462, %dot_general3A_1468 {dimension_numbers = #tpu.dot_dimension_numbers<[1], [0], [0], [1], [0, 0, 1, 1], [], []>, transpose_lhs_hint = false} : vector<256x256xbf16>, vector<256x1408xbf16>, vector<256x1408xf32> -> vector<256x1408xf32>
    %add3A_1470 = arith.addf %add3A_1457, %dot_general3A_1469 : vector<256x1408xf32>
    %add3A_1471 = vector.broadcast %get3A_1 : vector<256x1xf32> to vector<256x1408xf32>
    %add3A_1472 = arith.addf %add3A_1470, %add3A_1471 : vector<256x1408xf32>
    %max3A_1473 = arith.constant 0.000000e+00 : f32
    %max3A_1474 = vector.broadcast %max3A_1473 : f32 to vector<256x1408xf32>
    %max3A_1475 = arith.maximumf %add3A_1472, %max3A_1474 : vector<256x1408xf32>
    %convert_element_type3A_1476 = arith.truncf %max3A_1475 : vector<256x1408xf32> to vector<256x1408xbf16>
    %dot_general3A_1477 = arith.constant dense<0.000000e+00> : vector<16x1408xf32>
    %dot_general3A_1478 = tpu.matmul %get3A_7, %convert_element_type3A_1476, %dot_general3A_1477 {dimension_numbers = #tpu.dot_dimension_numbers<[1], [0], [0], [1], [0, 0, 1, 1], [], []>, transpose_lhs_hint = false} : vector<16x256xbf16>, vector<256x1408xbf16>, vector<16x1408xf32> -> vector<16x1408xf32>
    %add3A_1479 = vector.broadcast %get3A_4 : vector<16x1xf32> to vector<16x1408xf32>
    %add3A_1480 = arith.addf %dot_general3A_1478, %add3A_1479 : vector<16x1408xf32>
    %swap3A_1481 = arith.constant 0 : index
    %swap3A_1482 = arith.constant 0 : index
    %swap3A_1483 = arith.constant 14080 : index
    %swap3A_1484 = vector.load %arg6[%swap3A_1481, %swap3A_1482, %swap3A_1483] : memref<1x16x15488xf32, #tpu.memory_space<vmem>>, vector<1x16x1408xf32>
    %swap3A_1485 = vector.shape_cast %swap3A_1484 : vector<1x16x1408xf32> to vector<16x1408xf32>
    %swap3A_1486 = vector.shape_cast %add3A_1480 : vector<16x1408xf32> to vector<1x16x1408xf32>
    tpu.vector_store %arg6[%swap3A_1481, %swap3A_1482, %swap3A_1483], %swap3A_1486 {strides = array<i32>} : memref<1x16x15488xf32, #tpu.memory_space<vmem>>, vector<1x16x1408xf32>,
    return
  }
  func.func @transform_0(%arg0: i32) -> (i32, i32, i32) {
    %c0_i32 = arith.constant 0 : i32
    %c0_i32_0 = arith.constant 0 : i32
    %c0_i32_1 = arith.constant 0 : i32
    return %arg0, %c0_i32, %c0_i32_0 : i32, i32, i32
  }
  func.func @transform_1(%arg0: i32) -> (i32, i32, i32) {
    %c0_i32 = arith.constant 0 : i32
    %c0_i32_0 = arith.constant 0 : i32
    %c0_i32_1 = arith.constant 0 : i32
    %c0_i32_2 = arith.constant 0 : i32
    return %c0_i32, %c0_i32_0, %c0_i32_1 : i32, i32, i32
  }
  func.func @transform_2(%arg0: i32) -> (i32, i32) {
    %c0_i32 = arith.constant 0 : i32
    %c0_i32_0 = arith.constant 0 : i32
    %c0_i32_1 = arith.constant 0 : i32
    return %c0_i32, %c0_i32_0 : i32, i32
  }
  func.func @transform_3(%arg0: i32) -> (i32, i32) {
    %c0_i32 = arith.constant 0 : i32
    %c0_i32_0 = arith.constant 0 : i32
    %c0_i32_1 = arith.constant 0 : i32
    return %c0_i32, %c0_i32_0 : i32, i32
  }
  func.func @transform_4(%arg0: i32) -> (i32, i32) {
    %c0_i32 = arith.constant 0 : i32
    %c0_i32_0 = arith.constant 0 : i32
    %c0_i32_1 = arith.constant 0 : i32
    return %c0_i32, %c0_i32_0 : i32, i32
  }
  func.func @transform_5(%arg0: i32) -> (i32, i32, i32) {
    %c0_i32 = arith.constant 0 : i32
    %c0_i32_0 = arith.constant 0 : i32
    %c0_i32_1 = arith.constant 0 : i32
    return %arg0, %c0_i32, %c0_i32_0 : i32, i32, i32
  }
}

</mosaic_0001>

<sc_bundles>
// kernel: sparse-core-data-format-call.cloned.1.call-start
scs
called_computation_lowered:
.L_overlay_start_0:
0x0: {  	s1 =	sld [smem:$0x3FD9]  }
0x1: {  	s2 =	sld [smem:$0x3FFE];
	_ =	sdelay $0x1  }
0x2: {  	s3 =	srdreg.scid  }
0x3: {  	s0 =	sand.u32 $0x1, s3  }
0x4: {  	s17 =	sshll.u32 s0, $0xA;
	s1 =	sadd.s32 s2, s1  }
0x5: {  	s1 =	sadd.s32 s1, s17  }
0x6: {  	[smem:$0x3FC1] =	sst s1  }
0x7: {  	_ = 	snop  }
0x8: {  	(tm) =	ssettm $0x1  }
0x9: {  	s18 =	sld [smem:$0x3FFB];
	_ =	sdelay $0x3  }
0xa: {  	_ =	strace s18  }
0xb: {  	s1 =	sld [smem:$0x3FFC];
	_ =	sdelay $0x3  }
0xc: {  	_ =	strace s1  }
0xd: {  	s1 =	sld [smem:$0x3FFD];
	_ =	sdelay $0x3  }
0xe: {  	_ =	strace s1  }
0xf: {  	_ =	strace $0x8FFFFFFF  }
0x10: {  	s19 =	sld [smem:$0x3FDB];
	_ =	sdelay $0x1  }
0x11: {  	s20 =	simm.s32 $_scs_section_size  }
0x12: {  	s4 =	simm.s32 $_size__tile_overlayer_lowered;
	s5 =	simm.s32 $_tile_overlayer_lowered  }
0x13: {  	s23 =	simm.s32 $0x1BFF;
	s22 =	sshll.u32 s5, $0x1;
	s1 =	sadd.s32 s20, s19  }
0x14: {  	s6 =	simm.s32 $0x0;
	s21 =	sshll.u32 s4, $0x1;
	s4 =	sadd.s32 s22, s1  }
0x15: {  	[timem:s6], [sflag:s23] =	dma.local [hbm:s4], s21  }
0x16: {  	_ =	swait.ge [sflag:s23], s21  }
0x17: {  	s2 =	ssub.s32 $0x0, s21;
	[sflag:s23] =	ssyncset.done $0x0  }
0x18: {  	[sflag:s23] =	ssyncadd.s32 s2;
	_ =	sdelay $0x1  }
0x19: {  	s24 =	simm.s32 $0x1B8B  }
0x1a: {  	_ =	swait.ge [sflag:s24], $0x1  }
0x1b: {  	[sflag:s24] =	ssyncset.done $0x0  }
0x1c: {  	s26 =	simm.s32 $0x1B8E;
	s25 =	sld [smem:$0x3FFE];
	[sflag:s24] =	ssyncadd.s32 $0xFFFFFFFF  }
0x1d: {  	s27 =	simm.s32 $execute0_lowered;
	[smem:$0x3FD2] =	sst s26  }
0x1e: {  	s4 =	sshll.u32 s27, $0x1;
	_ =	strace $0x80000046;
	[dreg:$0x1] =	wrdreg $0xFFFFFFFF  }
0x1f: {  	s28 =	simm.s32 $_size_execute0_lowered;
	s1 =	sadd.s32 s1, s4;
	[dreg:$0x0] =	wrdreg $0x0  }
0x20: {  	s4 =	sshll.u32 s28, $0x1;
	[dreg:$0x2] =	wrdreg s1  }
0x21: {  	[dreg:$0x3] =	wrdreg s4  }
0x22: {  	[dreg:$0x4] =	wrdreg $0xC0  }
0x23: {  	_ =	task [dreg:s6], $0x5FFFF  }
0x24: {  	[dreg:$0x1] =	wrdreg $0xFFFFFFFF  }
0x25: {  	[dreg:$0x0] =	wrdreg $0x60  }
0x26: {  	[dreg:$0x2] =	wrdreg s25  }
0x27: {  	[dreg:$0x3] =	wrdreg $0x9  }
0x28: {  	_ =	task.clear_ibuf [dreg:s6], $0x4FFFF;
	_ =	strace $0x90000046  }
0x29: {  	s29 =	simm.s32 $0x9;
	_ =	strace $0x80000048  }
0x2a: {  	_ =	swait.ge [sflag:s29], $0x1  }
0x2b: {  	[sflag:s29] =	ssyncadd.s32 $0xFFFFFFFF  }
0x2c: {  	_ =	strace $0x90000048  }
0x2d: {  	_ =	sfence  }
0x2e: {  	s30 =	sld [smem:$0x0];
	_ =	sdelay $0x2  }
0x2f: {  	s31 =	sshll.u32 s3, $0xD;
	s3 =	sshrl.u32 s3, $0x2  }
0x30: {  	s2 =	sand.u32 $0x4000, s31;
	s1 =	sadd.s32 s3, s30  }
0x31: {  	s0 =	sor.u32 s2, s0;
	s1 =	sshll.u32 s1, $0x11  }
0x32: {  	s0 =	sor.u32 s1, s0  }
0x33: {  	s0 =	sadd.s32 $0x8F2B, s0  }
0x34: {  	[sflag:s0] =	ssyncadd.remote.s32 $0x1  }
0x35: {  	_ =	sfence.sel $0xFFFF  }
0x36: {  	[dreg:$0x0] =	wrdreg $0xFFFFFFFF;
	(pc) =	sbr.abs _section_cstart, $3  }
0x37: {  	[dreg:$0x1] =	wrdreg $0xFFFFFFFF  }
0x38: {  	_ =	task.clear_ibuf [dreg:s6], $0x2FFFF;
	_ =	strace $0x9FFFFFFF  }
0x39: {  	(tm) =	ssettm $0x7FFFFFFF  }
tec
execute0_lowered:
.L_overlay_start_1:
0x0: {  	(tag) =	ssettag $0x1  }
0x1: {  	s0 =	srdreg.scid  }
0x2: {  	s5 =	rddreg [dreg:$0x0];
	s4 =	simm.s32 $0x1;
	s1 =	sshll.u32 s0, $0x4  }
0x3: {  	s31 =	simm.s32 $0x2;
	s0 =	stileid.u32;
	s1 =	sand.u32 $0x10, s1  }
0x4: {  	s13 =	simm.s32 $0x0;
	p0 =	por $0x0, $0x0;
	s1 =	sor.u32 s0, s1  }
0x5: {  	s8 =	simm.s32 $0xF600;
	s12 =	simm.s32 $0x0;
	s2 =	sshll.u32 s1, $0x7  }
.Ltmp0:
0x6: {  	s10 =	simm.s32 $0x0;
	s3 =	ssub.s32 $0x3D00, s2;
	(pc) =	sbr.rel .LBB1_1-.Ltmp0, $4  }
0x7: {  	s1 =	rddreg [dreg:$0x1];
	_ =	strace $0x80000047;
	s6 =	sshrl.u32 s3, $0xC  }
0x8: {  	s11 =	simm.s32 $0x0;
	[sflag:s4] =	ssyncpa.u1 $0x0;
	s7 =	smul.u32 $0x5, s6  }
0x9: {  	s9 =	smov.u32 s2;
	s3 =	sadd.s32 $0x268A00, s5;
	s5 =	sadd.s32 $0x1000, s5  }
0xa: {  	[sflag:s31] =	ssyncpa.u1 $0x0;
	s6 =	sadd.s32 $0x5, s7;
	s7 =	sadd.s32 $0x6, s7  }
.LBB1_5:
0xb: {  	s14 =	sadd.s32 $0x1000, s9  }
0xc: {  	s12 =	simm.s32 $0x1;
	p2 =	sgt.s32 s14, $0x3D5B  }
0xd: {  	s12 =	simm.s32 @!p2 $0x0  }
0xe: {  	s16 =	sadd.s32 s12, s10  }
0xf: {  	s14 =	smov.u32 @p2 s2;
	p2 =	sgt.s32 s16, $0x4  }
0x10: {  	s16 =	simm.s32 @p2 $0x0;
	p2 =	sne.s32 s11, s7  }
.Ltmp1:
0x11: {  	p1 =	slt.u32 s11, $0x2;
	(pc) =	sbr.rel @!p2 .LBB1_6-.Ltmp1, $4  }
0x12: {  	s15 =	simm.s32 @!p1 $0x2  }
0x13: {  	s13 =	smov.u32 s9;
	p0 =	por !p0, !p0;
	_ =	swait.ge @!p1 [sflag:s15], $0x4000  }
0x14: {  	[sflag:s15] =	ssyncset.done @!p1 $0x0;
	s12 =	smov.u32 s10;
	s9 =	smov.u32 s14  }
0x15: {  	[sflag:s15] =	ssyncadd.s32 @!p1 $0xFFFFC000;
	s11 =	sadd.s32 $0x1, s11;
	s10 =	smov.u32 s16  }
.LBB1_1:
0x16: {  	p1 =	sge.u32 s11, s6;
	s16 =	smov.u32 s10  }
0x17: {  	s18 =	smov.u32 s9;
	s14 =	sshll.u32 @!p1 s9, $0x8;
	s15 =	sshll.u32 @!p1 s9, $0x7  }
0x18: {  	p2 =	sgt.s32 @!p1 s10, $0x4;
	s17 =	sshra.s32 @!p1 s10, $0x1F;
	s19 =	sshra.s32 @!p1 s9, $0x1F  }
0x19: {  	s14 =	sand.u32 @!p1 $0xFFFFF800, s14;
	s15 =	sand.u32 @!p1 $0x300, s15;
	p2 =	por !p2, p1  }
0x1a: {  	s14 =	sor.u32 @!p1 s15, s14;
	s16 =	simm.s32 @p2 $0x4;
	p2 =	sgt.s32 @!p1 s9, $0x3CE0  }
0x1b: {  	s17 =	sand.u32 @!p1 s17, s10;
	s14 =	sshrl.u32 @!p1 s14, $0x8;
	p2 =	por !p2, p1  }
0x1c: {  	s16 =	ssub.s32 @!p1 s16, s17;
	s17 =	sand.u32 @!p1 s19, s9;
	s18 =	simm.s32 @p2 $0x3CE0  }
0x1d: {  	s15 =	smulhi.u32 @!p1 $0x215E5F, s14;
	s16 =	sadd.s32 @!p1 $0xFFFFFFFC, s16;
	s17 =	ssub.s32 @!p1 s18, s17  }
0x1e: {  	p2 =	sgt.s32 @!p1 s16, $0x0;
	s16 =	sshll.u32 @!p1 s16, $0x7;
	s18 =	sadd.s32 @!p1 $0xFFFFC320, s17  }
0x1f: {  	s15 =	sshrl.u32 @!p1 s15, $0x3;
	s17 =	ssub.s32 @!p1 $0x3D60, s17;
	p3 =	sgt.s32 @!p1 s18, $0x7F  }
0x20: {  	s16 =	ssub.s32 @!p1 $0x80, s16;
	p2 =	por !p2, p1;
	p3 =	por !p3, p1  }
0x21: {  	s15 =	smul.u32 @!p1 $0x3D60, s15;
	s16 =	simm.s32 @!p2 $0x0;
	s17 =	simm.s32 @!p3 $0x0  }
0x22: {  	s16 =	smul.u32 @!p1 s17, s16  }
0x23: {  	s14 =	ssub.s32 @!p1 s14, s15;
	s17 =	smul.u32 @!p1 $0x3D600, s10  }
0x24: {  	s18 =	sxor.u32 @!p1 $0xFFFFFFFF, s11;
	s14 =	sshll.u32 @!p1 s14, $0x4  }
0x25: {  	s15 =	sand.u32 @!p1 $0x3FFFFF80, s16;
	s16 =	sadd.s32 @!p1 s3, s17;
	s17 =	sshll.u32 @!p1 s18, $0xE  }
0x26: {  	s14 =	sadd.s32 @!p1 s14, s16;
	s16 =	sand.u32 @!p1 $0x4000, s17;
	s17 =	simm.s32 @!p1 $0x0  }
0x27: {  	[tilespmem:s16], [sflag:$0x1] =	stream.linear.gather @!p1 [hbm4b:s14+s17], s15, $0x38;
	[tilespmem:$0x10100] =	vst v63  }
0x28: {  	p1 =	seq.s32 s11, $0x0  }
0x29: {  	p2 =	sge.u32 @!p1 s11, s7  }
0x2a: {  	p1 =	por p1, p2  }
.Ltmp2:
0x2b: {  	_ = 	snop;
	(pc) =	sbr.rel @p1 .LBB1_5-.Ltmp2, $1  }
0x2c: {  	_ =	sdelay $0x3  }
0x2d: {  	p1 =	sgt.s32 s12, $0x4;
	s14 =	smov.u32 s12  }
0x2e: {  	s15 =	sshra.s32 s12, $0x1F;
	s16 =	smov.u32 s13;
	s17 =	sshra.s32 s13, $0x1F  }
0x2f: {  	s14 =	simm.s32 @!p1 $0x4;
	s15 =	sand.u32 s15, s12;
	p1 =	sgt.s32 s13, $0x3CE0  }
0x30: {  	s26 =	sand.u32 s17, s13;
	s14 =	ssub.s32 s14, s15;
	s16 =	simm.s32 @!p1 $0x3CE0  }
0x31: {  	s14 =	sadd.s32 $0xFFFFFFFC, s14;
	s15 =	ssub.s32 s16, s26  }
0x32: {  	p1 =	sgt.s32 s14, $0x0;
	s16 =	sadd.s32 $0xFFFFC320, s15;
	s14 =	sshll.u32 s14, $0x7  }
0x33: {  	s15 =	ssub.s32 $0x3D60, s15;
	p2 =	sgt.s32 s16, $0x7F;
	s14 =	ssub.s32 $0x80, s14  }
0x34: {  	s15 =	simm.s32 @p2 $0x0;
	s14 =	simm.s32 @p1 $0x0  }
0x35: {  	s14 =	smul.u32 s15, s14  }
0x36: {  	s18 =	simm.s32 $0x0  }
0x37: {  	s27 =	sand.u32 $0x1, s11;
	s29 =	sand.u32 $0x3C00, s18;
	s14 =	sand.u32 $0x3FFFFF80, s14  }
0x38: {  	s18 =	sand.u32 $0x180, s18;
	s15 =	sshll.u32 s27, $0xE;
	_ =	swait.ge [sflag:s4], s14  }
0x39: {  	s28 =	ssub.s32 $0x0, s14;
	s14 =	sadd.s32 s29, s15;
	[sflag:s4] =	ssyncset.done $0x0  }
0x3a: {  	s19 =	sadd.s32 s18, s14;
	[sflag:s4] =	ssyncadd.s32 s28  }
0x3b: {  	v0 =	vld [tilespmem:s19+$0x260]  }
0x3c: {  	v1 =	vld [tilespmem:s19+$0x270]  }
0x3d: {  	v2 =	vld [tilespmem:s19+$0x0]  }
0x3e: {  	v3 =	vld [tilespmem:s19+$0x10]  }
0x3f: {  	v4 =	vld [tilespmem:s19+$0x20]  }
0x40: {  	s14 =	simm.s32 $0x1;
	v5 =	vld [tilespmem:s19+$0x30]  }
0x41: {  	s14 =	simm.s32 @!p0 $0x0;
	v6 =	vld [tilespmem:s19+$0x40]  }
0x42: {  	s14 =	smul.u32 $0x10200, s14;
	v7 =	vld [tilespmem:s19+$0x50];
	v1 =	vperm.xlane.i2c.b16 v1;
	v0 =	vperm.xlane.i2c.b16 v0  }
0x43: {  	v8 =	vld [tilespmem:s19+$0x60];
	v2 =	vperm.xlane.i2c.b16 v2;
	v3 =	vperm.xlane.i2c.b16 v3  }
0x44: {  	v10 =	vld [tilespmem:s19+$0x70];
	s14 =	sshrl.u32 s14, $0x2;
	v9 =	vcombine.low v0, v1;
	v0 =	vcombine.high v0, v1  }
0x45: {  	s14 =	sor.u32 $0x8000, s14;
	v1 =	vperm.xlane.i2c.b16 v5;
	v5 =	vld [tilespmem:s19+$0x200];
	v11 =	vcombine.low v2, v3  }
0x46: {  	v4 =	vperm.xlane.i2c.b16 v4;
	v2 =	vcombine.high v2, v3;
	v3 =	vld [tilespmem:s19+$0x210];
	[tilespmem:s14+$0x3870 ss:$0x81] =	vst.msk $0xffff, v9  }
0x47: {  	s30 =	simm.s32 $0x100;
	v6 =	vperm.xlane.i2c.b16 v6;
	v7 =	vperm.xlane.i2c.b16 v7;
	v9 =	vld [tilespmem:s19+$0x220];
	[tilespmem:s14+$0x0 ss:$0x81] =	vst.msk $0xffff, v11  }
0x48: {  	s16 =	sand.u32 $0x3C00, s30;
	s18 =	simm.s32 $0x80;
	[tilespmem:s14+$0x3871 ss:$0x81] =	vst.msk $0xffff, v0;
	v0 =	vcombine.low v4, v1;
	v1 =	vcombine.high v4, v1;
	v4 =	vld [tilespmem:s19+$0x230]  }
0x49: {  	s16 =	sadd.s32 s16, s15;
	s20 =	sand.u32 $0x180, s18;
	[tilespmem:s14+$0x1 ss:$0x81] =	vst.msk $0xffff, v2;
	v2 =	vperm.xlane.i2c.b16 v8;
	v8 =	vperm.xlane.i2c.b16 v10;
	v10 =	vld [tilespmem:s19+$0x240]  }
0x4a: {  	s16 =	sadd.s32 s20, s16;
	[tilespmem:s14+$0x810 ss:$0x81] =	vst.msk $0xffff, v0;
	v0 =	vcombine.low v6, v7;
	v6 =	vcombine.high v6, v7;
	v7 =	vld [tilespmem:s19+$0x250]  }
0x4b: {  	v11 =	vcombine.low v2, v8;
	v2 =	vcombine.high v2, v8;
	v8 =	vld [tilespmem:s16+$0x0];
	[tilespmem:s14+$0x811 ss:$0x81] =	vst.msk $0xffff, v1  }
0x4c: {  	v1 =	vperm.xlane.i2c.b16 v5;
	v5 =	vld [tilespmem:s16+$0x260];
	[tilespmem:s14+$0x1020 ss:$0x81] =	vst.msk $0xffff, v0;
	v0 =	vperm.xlane.i2c.b16 v3  }
0x4d: {  	v3 =	vld [tilespmem:s16+$0x270];
	[tilespmem:s14+$0x1021 ss:$0x81] =	vst.msk $0xffff, v6;
	v6 =	vperm.xlane.i2c.b16 v9  }
0x4e: {  	[tilespmem:s14+$0x1830 ss:$0x81] =	vst.msk $0xffff, v11;
	v11 =	vld [tilespmem:s16+$0x10];
	v4 =	vperm.xlane.i2c.b16 v4;
	v9 =	vcombine.low v1, v0  }
0x4f: {  	v12 =	vcombine.high v1, v0;
	v0 =	vperm.xlane.i2c.b16 v10  }
0x50: {  	[tilespmem:s14+$0x1831 ss:$0x81] =	vst.msk $0xffff, v2;
	v2 =	vld [tilespmem:s16+$0x20];
	v10 =	vcombine.low v6, v4;
	v1 =	vperm.xlane.i2c.b16 v7  }
0x51: {  	v4 =	vcombine.high v6, v4;
	v8 =	vperm.xlane.i2c.b16 v8;
	[tilespmem:s14+$0x2040 ss:$0x81] =	vst.msk $0xffff, v9;
	v9 =	vld [tilespmem:s16+$0x30]  }
0x52: {  	v5 =	vperm.xlane.i2c.b16 v5;
	[tilespmem:s14+$0x2041 ss:$0x81] =	vst.msk $0xffff, v12;
	v12 =	vld [tilespmem:s16+$0x40];
	v6 =	vperm.xlane.i2c.b16 v3  }
0x53: {  	[tilespmem:s14+$0x2850 ss:$0x81] =	vst.msk $0xffff, v10;
	v10 =	vld [tilespmem:s16+$0x50];
	v13 =	vcombine.low v0, v1;
	v11 =	vperm.xlane.i2c.b16 v11  }
0x54: {  	[tilespmem:s14+$0x2851 ss:$0x81] =	vst.msk $0xffff, v4;
	v4 =	vld [tilespmem:s16+$0x60];
	v14 =	vcombine.low v5, v6  }
0x55: {  	s31 =	smul.u32 $0x10200, s27;
	s17 =	sadd.s32 $0x2, s14;
	v3 =	vld [tilespmem:s16+$0x70];
	v7 =	vperm.xlane.i2c.b16 v2;
	[tilespmem:s14+$0x3060 ss:$0x81] =	vst.msk $0xffff, v13;
	v13 =	vcombine.low v8, v11  }
0x56: {  	v5 =	vcombine.high v5, v6;
	v6 =	vld [tilespmem:s16+$0x200];
	v9 =	vperm.xlane.i2c.b16 v9;
	[tilespmem:s17+$0x3870 ss:$0x81] =	vst.msk $0xffff, v14  }
0x57: {  	s19 =	sshrl.u32 s31, $0x2;
	v2 =	vld [tilespmem:s16+$0x210];
	v11 =	vcombine.high v8, v11;
	[tilespmem:s17+$0x0 ss:$0x81] =	vst.msk $0xffff, v13;
	v8 =	vperm.xlane.i2c.b16 v12  }
0x58: {  	s21 =	simm.s32 $0x200;
	s20 =	simm.s32 $0x2;
	s19 =	sor.u32 $0x8000, s19;
	[tilespmem:s17+$0x3871 ss:$0x81] =	vst.msk $0xffff, v5;
	v10 =	vperm.xlane.i2c.b16 v10;
	v5 =	vld [tilespmem:s16+$0x220];
	v12 =	vcombine.low v7, v9  }
.LBB1_3:
0x59: {  	s22 =	sand.u32 $0x3C00, s21;
	[tilespmem:s17+$0x1 ss:$0x81] =	vst.msk $0xffff, v11;
	v7 =	vcombine.high v7, v9;
	v4 =	vperm.xlane.i2c.b16 v4;
	v9 =	vld [tilespmem:s16+$0x230];
	s18 =	sadd.s32 $0x80, s18  }
0x5a: {  	s23 =	sand.u32 $0x180, s18;
	s22 =	sadd.s32 s22, s15;
	[tilespmem:s17+$0x810 ss:$0x81] =	vst.msk $0xffff, v12;
	v11 =	vcombine.low v8, v10;
	v3 =	vperm.xlane.i2c.b16 v3;
	v12 =	vld [tilespmem:s16+$0x240]  }
0x5b: {  	s20 =	sadd.s32 $0x2, s20;
	[tilespmem:s17+$0x811 ss:$0x81] =	vst.msk $0xffff, v7;
	v7 =	vcombine.high v8, v10;
	v6 =	vperm.xlane.i2c.b16 v6;
	v8 =	vld [tilespmem:s16+$0x250];
	s16 =	sadd.s32 s23, s22  }
0x5c: {  	p1 =	slt.u32 s20, $0x7E;
	v10 =	vld [tilespmem:s16+$0x260];
	[tilespmem:s17+$0x1020 ss:$0x81] =	vst.msk $0xffff, v11;
	v11 =	vcombine.low v4, v3;
	v2 =	vperm.xlane.i2c.b16 v2  }
0x5d: {  	v3 =	vcombine.high v4, v3;
	v13 =	vld [tilespmem:s16+$0x270];
	[tilespmem:s17+$0x1021 ss:$0x81] =	vst.msk $0xffff, v7;
	v4 =	vperm.xlane.i2c.b16 v5  }
0x5e: {  	v5 =	vld [tilespmem:s16+$0x0];
	[tilespmem:s17+$0x1830 ss:$0x81] =	vst.msk $0xffff, v11;
	v7 =	vcombine.low v6, v2;
	v9 =	vperm.xlane.i2c.b16 v9  }
0x5f: {  	v2 =	vcombine.high v6, v2;
	v11 =	vld [tilespmem:s16+$0x10];
	[tilespmem:s17+$0x1831 ss:$0x81] =	vst.msk $0xffff, v3;
	v3 =	vperm.xlane.i2c.b16 v12  }
0x60: {  	v6 =	vld [tilespmem:s16+$0x20];
	[tilespmem:s17+$0x2040 ss:$0x81] =	vst.msk $0xffff, v7;
	v7 =	vcombine.low v4, v9;
	v8 =	vperm.xlane.i2c.b16 v8  }
0x61: {  	v12 =	vld [tilespmem:s16+$0x30];
	[tilespmem:s17+$0x2041 ss:$0x81] =	vst.msk $0xffff, v2;
	v2 =	vcombine.high v4, v9;
	v9 =	vcombine.high v0, v1;
	v0 =	vmov v3  }
0x62: {  	v10 =	vperm.xlane.i2c.b16 v10;
	v14 =	vld [tilespmem:s16+$0x40];
	v13 =	vperm.xlane.i2c.b16 v13;
	[tilespmem:s17+$0x2850 ss:$0x81] =	vst.msk $0xffff, v7;
	v1 =	vmov v8  }
0x63: {  	v5 =	vperm.xlane.i2c.b16 v5;
	v15 =	vld [tilespmem:s16+$0x50];
	[tilespmem:s17+$0x2851 ss:$0x81] =	vst.msk $0xffff, v2;
	v2 =	vcombine.low v0, v1  }
.Ltmp3:
0x64: {  	v8 =	vperm.xlane.i2c.b16 v11;
	v4 =	vld [tilespmem:s16+$0x60];
	v11 =	vcombine.low v10, v13;
	[tilespmem:s14+$0x3061 ss:$0x81] =	vst.msk $0xffff, v9;
	s14 =	smov.u32 s17;
	(pc) =	sbr.rel @p1 .LBB1_3-.Ltmp3, $4  }
0x65: {  	v10 =	vcombine.high v10, v13;
	s17 =	sadd.s32 $0x2, s17;
	v7 =	vperm.xlane.i2c.b16 v6;
	v3 =	vld [tilespmem:s16+$0x70];
	[tilespmem:s14+$0x3060 ss:$0x81] =	vst.msk $0xffff, v2  }
0x66: {  	v13 =	vcombine.low v5, v8;
	v9 =	vperm.xlane.i2c.b16 v12;
	v6 =	vld [tilespmem:s16+$0x200];
	[tilespmem:s17+$0x3870 ss:$0x81] =	vst.msk $0xffff, v11  }
0x67: {  	v11 =	vcombine.high v5, v8;
	v8 =	vperm.xlane.i2c.b16 v14;
	v2 =	vld [tilespmem:s16+$0x210];
	[tilespmem:s17+$0x3871 ss:$0x81] =	vst.msk $0xffff, v10  }
0x68: {  	s21 =	sadd.s32 $0x100, s21;
	[tilespmem:s17+$0x0 ss:$0x81] =	vst.msk $0xffff, v13;
	v12 =	vcombine.low v7, v9;
	v10 =	vperm.xlane.i2c.b16 v15;
	v5 =	vld [tilespmem:s16+$0x220]  }
0x69: {  	[tilespmem:s17+$0x1 ss:$0x81] =	vst.msk $0xffff, v11;
	v7 =	vcombine.high v7, v9;
	v4 =	vperm.xlane.i2c.b16 v4;
	v49 =	vld [tilespmem:s16+$0x230]  }
0x6a: {  	v51 =	vld [tilespmem:s16+$0x240];
	v0 =	vcombine.high v0, v1;
	[tilespmem:s17+$0x810 ss:$0x81] =	vst.msk $0xffff, v12;
	v50 =	vcombine.low v8, v10  }
0x6b: {  	s15 =	sshll.u32 s13, $0x3;
	s29 =	sshll.u32 s13, $0x1;
	v53 =	vld [tilespmem:s16+$0x250];
	v3 =	vperm.xlane.i2c.b16 v3;
	v52 =	vcombine.high v8, v10;
	[tilespmem:s17+$0x811 ss:$0x81] =	vst.msk $0xffff, v7  }
0x6c: {  	s15 =	sand.u32 $0xFFFFFC00, s15;
	s13 =	sand.u32 $0xFE, s29;
	v6 =	vperm.xlane.i2c.b16 v6;
	[tilespmem:s14+$0x3061 ss:$0x81] =	vst.msk $0xffff, v0;
	v2 =	vperm.xlane.i2c.b16 v2  }
0x6d: {  	s13 =	sor.u32 s13, s15;
	[tilespmem:s17+$0x1020 ss:$0x81] =	vst.msk $0xffff, v50;
	v54 =	vcombine.low v4, v3;
	v3 =	vcombine.high v4, v3  }
0x6e: {  	s15 =	sshrl.u32 s13, $0x7;
	[tilespmem:s17+$0x1021 ss:$0x81] =	vst.msk $0xffff, v52;
	v55 =	vperm.xlane.i2c.b16 v5;
	v56 =	vcombine.low v6, v2  }
0x6f: {  	s15 =	smulhi.u32 $0x214D022, s15;
	[tilespmem:s17+$0x1830 ss:$0x81] =	vst.msk $0xffff, v54;
	v57 =	vperm.xlane.i2c.b16 v49;
	v2 =	vcombine.high v6, v2  }
0x70: {  	s12 =	smul.u32 $0x3D800, s12;
	v58 =	vperm.xlane.i2c.b16 v51;
	v60 =	vperm.xlane.i2c.b16 v53;
	[tilespmem:s17+$0x1831 ss:$0x81] =	vst.msk $0xffff, v3  }
0x71: {  	s30 =	smul.u32 $0x3D80, s15;
	[tilespmem:s17+$0x2040 ss:$0x81] =	vst.msk $0xffff, v56;
	v59 =	vcombine.low v55, v57  }
0x72: {  	s12 =	sadd.s32 s5, s12;
	v62 =	vcombine.low v58, v60;
	[tilespmem:s17+$0x2041 ss:$0x81] =	vst.msk $0xffff, v2  }
.Ltmp4:
0x73: {  	s15 =	sand.u32 $0xFF, s15;
	v61 =	vcombine.high v55, v57;
	s13 =	ssub.s32 s13, s30;
	[tilespmem:s17+$0x2850 ss:$0x81] =	vst.msk $0xffff, v59;
	(pc) =	sbr.rel .LBB1_5-.Ltmp4, $4  }
0x74: {  	s15 =	smul.u32 $0x3D8, s15;
	v63 =	vcombine.high v58, v60;
	s31 =	sshrl.u32 s13, $0x4;
	s13 =	sshll.u32 s13, $0x11;
	[tilespmem:s17+$0x3060 ss:$0x81] =	vst.msk $0xffff, v62  }
0x75: {  	[tilespmem:s17+$0x2851 ss:$0x81] =	vst.msk $0xffff, v61;
	s12 =	sadd.s32 s31, s12;
	s13 =	sand.u32 $0x1C0000, s13  }
0x76: {  	[tilespmem:s17+$0x3061 ss:$0x81] =	vst.msk $0xffff, v63;
	s12 =	sadd.s32 s15, s12;
	s13 =	sor.u32 $0x200, s13  }
0x77: {  	[hbm4b:s12+s13] =	stream.strided.scatter [tilespmem:s19], [sflag:$0x2], $0x4000, s8, s13, $0x20;
	[tilespmem:$0x10100] =	vst v63  }
.LBB1_6:
0x78: {  	_ =	sfence.sel $0x180000  }
0x79: {  	s2 =	simm.s32 $0x1;
	[bflag:$0x0] =	sbarrier.arrive $0xFFFF  }
0x7a: {  	s31 =	simm.s32 $0x2;
	[sflag:s2] =	ssyncpa.u1 $0x1  }
0x7b: {  	[sflag:s31] =	ssyncpa.u1 $0x1  }
0x7c: {  	p0 =	sne.s32 s0, $0x0;
	_ =	strace $0x90000047  }
0x7d: {  	s0 =	sadd.s32 @!p0 $0x100000, s1;
	[bflag:$0x2] =	sbarrier.arrive $0xFFFF  }
0x7e: {  	[sflag:s0] =	ssyncadd.tile.s32 @!p0 $0x1;
	_ =	shalt  }
.Lfunc_end1:
_tile_overlayer_lowered:
.L_overlay_start_2:
0x7f: {  	(tag) =	ssettag $0x2  }
0x80: {  	s0 =	rddreg [dreg:$0x0];
	s2 =	stileid.u32  }
0x81: {  	s1 =	rddreg [dreg:$0x1];
	p0 =	sne.s32 s2, $0x0  }
0x82: {  	s3 =	rddreg [dreg:$0x2];
	[bflag:$0x3] =	sbarrier.arrive $0xFFFF;
	s2 =	simm.s32 @!p0 $0x1C01  }
0x83: {  	[timem:s3], [sflag:s2] =	dma.local @!p0 [hbm:s0], s1  }
0x84: {  	s0 =	simm.s32 @!p0 $0x1  }
0x85: {  	_ =	swait.ge @!p0 [sflag:s0], s1  }
0x86: {  	s1 =	ssub.s32 @!p0 $0x0, s1;
	[sflag:s0] =	ssyncset.done @!p0 $0x0  }
0x87: {  	[sflag:s0] =	ssyncadd.s32 @!p0 s1  }
0x88: {  	[bflag:$0x3] =	sbarrier.arrive $0xFFFF  }
0x89: {  	_ =	shalt  }

</sc_bundles>
